<compile_context>
chip_gen: v7x
topology: tpu7x:2x2x1
jax: 0.10.2.dev20260603
libtpu: 0.0.44.dev20260713+nightly
codegen_flags: <defaults>
</compile_context>

<pallas_src>
import functools

import jax
import jax.numpy as jnp
from jax import lax
from jax.experimental import pallas as pl
from jax.experimental.pallas import tpu as pltpu
from jax.experimental.pallas import tpu_sc as plsc

_NUM_CORES = 2
_NUM_SUBCORES = 16
_LANES = 16


def _argmax_body(x_ref, out_ref, m_ref, a_ref):
    i = pl.program_id(0)
    nc = pl.num_programs(0)
    x = x_ref[...]
    s, b, c = x.shape
    gidx = i * c + lax.broadcasted_iota(jnp.int32, x.shape, 2)
    cmax = jnp.max(x, axis=-1)
    masked = jnp.where(x == cmax[..., None], gidx, jnp.int32(2**30))
    carg = jnp.min(masked, axis=-1)

    @pl.when(i == 0)
    def _():
        m_ref[...] = cmax
        a_ref[...] = carg

    @pl.when(i > 0)
    def _():
        upd = cmax > m_ref[...]
        m_ref[...] = jnp.where(upd, cmax, m_ref[...])
        a_ref[...] = jnp.where(upd, carg, a_ref[...])

    @pl.when(i == nc - 1)
    def _():
        pad = jnp.zeros((s, 128 - b), jnp.int32)
        out_ref[...] = jnp.concatenate([a_ref[...], pad], axis=1)


def _argmax_indices(samples, chunk=16384):
    s, b, n = samples.shape
    grid = n // chunk
    return pl.pallas_call(
        _argmax_body,
        grid=(grid,),
        in_specs=[pl.BlockSpec((s, b, chunk), lambda i: (0, 0, i))],
        out_specs=pl.BlockSpec((s, 128), lambda i: (0, 0)),
        out_shape=jax.ShapeDtypeStruct((s, 128), jnp.int32),
        scratch_shapes=[
            pltpu.VMEM((s, b), jnp.float32),
            pltpu.VMEM((s, b), jnp.int32),
        ],
    )(samples)


def _sc_gather(x5, idx, s_sz, b_sz, d):
    n_workers = _NUM_SUBCORES
    b_per_w = b_sz * s_sz // n_workers
    mesh = plsc.VectorSubcoreMesh(
        core_axis_name="c", subcore_axis_name="s", num_cores=1
    )

    @functools.partial(
        pl.kernel,
        mesh=mesh,
        compiler_params=pltpu.CompilerParams(needs_layout_passes=False),
        out_type=jax.ShapeDtypeStruct((b_sz, s_sz, d), jnp.float32),
        scratch_types=[
            pltpu.VMEM((_LANES,), jnp.int32),
            pltpu.VMEM((b_per_w, d // 8, 8, 128), jnp.float32),
            pltpu.VMEM((b_per_w, d), jnp.float32),
            pltpu.SemaphoreType.DMA,
            pltpu.SemaphoreType.DMA,
        ],
    )
    def gather_kernel(x5_hbm, idx_hbm, out_hbm, idx_v, win_v, col_v, wsem, osem):
        wid = lax.axis_index("s")
        base = wid * b_per_w
        s_idx = base // b_sz
        pltpu.sync_copy(idx_hbm.at[s_idx, pl.ds(0, _LANES)], idx_v)
        n_vecs = []
        win_dmas = []
        for j in range(b_per_w):
            b_idx = base % b_sz + j
            n_vec = plsc.load_gather(idx_v, [jnp.full((_LANES,), b_idx, jnp.int32)])
            n_hi = n_vec[0] >> 7
            n_vecs.append(n_vec)
            win_dmas.append(
                pltpu.async_copy(x5_hbm.at[b_idx, :, n_hi, :, :], win_v.at[j], wsem)
            )
        lanes = lax.broadcasted_iota(jnp.int32, (_LANES,), 0)
        out_dmas = []
        for j in range(b_per_w):
            b_idx = base % b_sz + j
            win_dmas[j].wait()
            for g in range(d // _LANES):
                rows = g * _LANES + lanes
                col_v[j, pl.ds(g * _LANES, _LANES)] = plsc.load_gather(
                    win_v, [jnp.full((_LANES,), j, jnp.int32), rows >> 3, rows & 7, n_vecs[j] & 127]
                )
            out_dmas.append(
                pltpu.async_copy(col_v.at[j], out_hbm.at[b_idx, s_idx], osem)
            )
        for dma in out_dmas:
            dma.wait()

    return gather_kernel(x5, idx)


def kernel(X, samples, num_samples):
    b, n, d = X.shape
    s = samples.shape[0]
    idx = _argmax_indices(samples)
    x5 = (
        X.transpose(0, 2, 1)
        .reshape(b, d // 8, 8, n // 128, 128)
        .transpose(0, 1, 3, 2, 4)
    )
    return _sc_gather(x5, idx, s, b, d)

# --- scband reference (transcript-rebuilt; emitter-appended) ---
"""Pipeline reference for scband-max-posterior-sampling-43791486550050 (READ-ONLY COPY).

The authoritative reference and input builder live on the scoring server;
editing this copy changes nothing except your own understanding.
"""

import jax, jax.numpy as jnp
import numpy as np


def setup_inputs(seed: int = 0) -> dict:
    key = jax.random.key(seed)
    k1, k2 = jax.random.split(key)
    B, N, d = 16, 32768, 64
    S = 8
    X = jax.random.normal(k1, (B, N, d), dtype=jnp.float32)
    # posterior samples (identity objective already applied, i.e. trailing
    # singleton output dim squeezed): sample_shape x batch_shape x N
    samples = jax.random.normal(k2, (S, B, N), dtype=jnp.float32)
    return {"X": X, "samples": samples, "num_samples": S}


def reference(X, samples, num_samples):
    # MaxPosteriorSampling.maximize_samples with replacement=True and
    # IdentityMCObjective: obj = samples (shape [S, B, N]).
    obj = samples
    # idcs = argmax over candidate dim N -> [S, B]
    idcs = jnp.argmax(obj, axis=-1)
    # idcs.ndim > 1 -> permute(*range(1, ndim), 0): [S, B] -> [B, S]
    idcs = jnp.transpose(idcs, (1, 0))
    # unsqueeze(-1).expand(..., d): [B, S, d]
    d = X.shape[-1]
    gather_idx = jnp.broadcast_to(idcs[..., None], idcs.shape + (d,))
    # Xe = X.expand(*obj.shape[1:], d) == X (already [B, N, d])
    # torch.gather(Xe, -2, idcs) -> take_along_axis over candidate dim
    out = jnp.take_along_axis(X, gather_idx, axis=-2)
    return out  # [B, num_samples, d]

if __name__ == "__main__":
    import jax
    _d = setup_inputs()
    print(jax.jit(kernel)(*tuple(_d.values())))

</pallas_src>

<mosaic_0001>
#map = affine_map<(d0, d1) -> (0, 0, 0, 0, 0)>
#map1 = affine_map<(d0, d1) -> (0, 0)>
#map2 = affine_map<(d0, d1) -> (0, 0, 0)>
module attributes {stable_mosaic.version = 14 : i64} {
  func.func @gather_kernel(%arg0: i32, %arg1: i32, %arg2: memref<16x8x256x8x128xf32, #tpu.memory_space<hbm>>, %arg3: memref<8x128xi32, #tpu.memory_space<hbm>>, %arg4: memref<16x8x64xf32, #tpu.memory_space<hbm>>, %arg5: memref<16xi32, #tpu.memory_space<vmem>>, %arg6: memref<8x8x8x128xf32, #tpu.memory_space<vmem>>, %arg7: memref<8x64xf32, #tpu.memory_space<vmem>>, %arg8: memref<!tpu.dma_semaphore, #tpu.memory_space<semaphore_mem>>, %arg9: memref<!tpu.dma_semaphore, #tpu.memory_space<semaphore_mem>>) attributes {dimension_semantics = [#tpu.dimension_semantics<core_parallel>, #tpu.dimension_semantics<subcore_parallel>], iteration_bounds = array<i64: 1, 16>, scalar_prefetch = 0 : i64, scratch_operands = 5 : i64, tpu.core_type = #tpu.core_type<sc_vector_subcore>, window_params = [{transform_indices = #map}, {transform_indices = #map1}, {transform_indices = #map2}]} {
    %mul3A = arith.constant 8 : i32
    %mul3A_0 = arith.muli %arg1, %mul3A : i32
    %jit3A = arith.constant 16 : i32
    %div3A = arith.divsi %mul3A_0, %jit3A : i32
    %sign3A = arith.constant 0 : i32
    %sign3A_1 = arith.cmpi sgt, %mul3A_0, %sign3A : i32
    %sign3A_2 = arith.extui %sign3A_1 : i1 to i32
    %sign3A_3 = arith.constant 0 : i32
    %sign3A_4 = arith.cmpi slt, %mul3A_0, %sign3A_3 : i32
    %sign3A_5 = arith.extui %sign3A_4 : i1 to i32
    %sign3A_6 = arith.subi %sign3A_2, %sign3A_5 : i32
    %sign3A_7 = arith.constant 0 : i32
    %sign3A_8 = arith.cmpi sgt, %jit3A, %sign3A_7 : i32
    %sign3A_9 = arith.extui %sign3A_8 : i1 to i32
    %sign3A_10 = arith.constant 0 : i32
    %sign3A_11 = arith.cmpi slt, %jit3A, %sign3A_10 : i32
    %sign3A_12 = arith.extui %sign3A_11 : i1 to i32
    %sign3A_13 = arith.subi %sign3A_9, %sign3A_12 : i32
    %ne3A = arith.cmpi ne, %sign3A_6, %sign3A_13 : i32
    %rem3A = arith.remsi %mul3A_0, %jit3A : i32
    %ne3A_14 = arith.constant 0 : i32
    %ne3A_15 = arith.cmpi ne, %rem3A, %ne3A_14 : i32
    %and3A = arith.andi %ne3A, %ne3A_15 : i1
    %sub3A = arith.constant 1 : i32
    %sub3A_16 = arith.subi %div3A, %sub3A : i32
    %select_n3A = arith.select %and3A, %sub3A_16, %div3A : i32
    "tpu.region"() ({
      %run_scoped3A = tpu.sem_alloc : memref<!tpu.dma_semaphore, #tpu.memory_space<semaphore_mem>>
      %dma_start3A_1494 = arith.constant 0 : i32
      %dma_start3A_1495 = tpu.memref_slice %arg3[%select_n3A, %dma_start3A_1494] : memref<8x128xi32, #tpu.memory_space<hbm>> -> memref<1x16xi32, #tpu.memory_space<hbm>>
      %dma_start3A_1496 = tpu.memref_squeeze %dma_start3A_1495 : memref<1x16xi32, #tpu.memory_space<hbm>> -> memref<16xi32, #tpu.memory_space<hbm>>
      %dma_start3A_1497 = arith.constant 0 : i32
      %dma_start3A_1498 = tpu.memref_slice %arg3[%select_n3A, %dma_start3A_1497] : memref<8x128xi32, #tpu.memory_space<hbm>> -> memref<1x16xi32, #tpu.memory_space<hbm>>
      %dma_start3A_1499 = tpu.memref_squeeze %dma_start3A_1498 : memref<1x16xi32, #tpu.memory_space<hbm>> -> memref<16xi32, #tpu.memory_space<hbm>>
      tpu.enqueue_dma source(%dma_start3A_1499 : memref<16xi32, #tpu.memory_space<hbm>>) target(%arg5 : memref<16xi32, #tpu.memory_space<vmem>>) target_semaphore(%run_scoped3A : memref<!tpu.dma_semaphore, #tpu.memory_space<semaphore_mem>>)
      %dma_wait3A_1500 = arith.constant 0 : i32
      %dma_wait3A_1501 = tpu.memref_slice %arg3[%select_n3A, %dma_wait3A_1500] : memref<8x128xi32, #tpu.memory_space<hbm>> -> memref<1x16xi32, #tpu.memory_space<hbm>>
      %dma_wait3A_1502 = tpu.memref_squeeze %dma_wait3A_1501 : memref<1x16xi32, #tpu.memory_space<hbm>> -> memref<16xi32, #tpu.memory_space<hbm>>
      %dma_wait3A_1503 = arith.constant 0 : i32
      %dma_wait3A_1504 = tpu.memref_slice %arg3[%select_n3A, %dma_wait3A_1503] : memref<8x128xi32, #tpu.memory_space<hbm>> -> memref<1x16xi32, #tpu.memory_space<hbm>>
      %dma_wait3A_1505 = tpu.memref_squeeze %dma_wait3A_1504 : memref<1x16xi32, #tpu.memory_space<hbm>> -> memref<16xi32, #tpu.memory_space<hbm>>
      tpu.wait_dma2 semaphore(%run_scoped3A : memref<!tpu.dma_semaphore, #tpu.memory_space<semaphore_mem>>) src(%dma_wait3A_1505 : memref<16xi32, #tpu.memory_space<hbm>>) dst(%arg5 : memref<16xi32, #tpu.memory_space<vmem>>)
      tpu.yield
    }) : () -> ()
    %jit3A_17 = arith.constant 16 : i32
    %eq3A = arith.constant 0 : i32
    %eq3A_18 = arith.cmpi eq, %jit3A_17, %eq3A : i32
    %jit3A_19 = arith.constant 1 : i32
    %select_n3A_20 = arith.select %eq3A_18, %jit3A_19, %jit3A_17 : i32
    %rem3A_21 = arith.remsi %mul3A_0, %select_n3A_20 : i32
    %ne3A_22 = arith.constant 0 : i32
    %ne3A_23 = arith.cmpi ne, %rem3A_21, %ne3A_22 : i32
    %lt3A = arith.constant 0 : i32
    %lt3A_24 = arith.cmpi slt, %rem3A_21, %lt3A : i32
    %lt3A_25 = arith.constant 0 : i32
    %lt3A_26 = arith.cmpi slt, %select_n3A_20, %lt3A_25 : i32
    %ne3A_27 = arith.xori %lt3A_24, %lt3A_26 : i1
    %and3A_28 = arith.andi %ne3A_27, %ne3A_23 : i1
    %add3A = arith.addi %rem3A_21, %select_n3A_20 : i32
    %select_n3A_29 = arith.select %and3A_28, %add3A, %rem3A_21 : i32
    %add3A_30 = arith.constant 0 : i32
    %add3A_31 = arith.addi %select_n3A_29, %add3A_30 : i32
    %broadcast_in_dim3A = vector.broadcast %add3A_31 : i32 to vector<16xi32>
    %gather3A = tpu.vector_load_idx %arg5[%broadcast_in_dim3A] : memref<16xi32, #tpu.memory_space<vmem>>[vector<16xi32>], vector<16xi32>,
    %slice3A = vector.extract_strided_slice %gather3A {offsets = [0], sizes = [1], strides = [1]} : vector<16xi32> to vector<1xi32>
    %squeeze3A = vector.extract %slice3A[0] : i32 from vector<1xi32>
    %shift_right_arithmetic3A = arith.constant 7 : i32
    %shift_right_arithmetic3A_32 = arith.shrsi %squeeze3A, %shift_right_arithmetic3A : i32
    %dma_start3A = arith.constant 0 : i32
    %dma_start3A_33 = arith.constant 0 : i32
    %dma_start3A_34 = arith.constant 0 : i32
    %dma_start3A_35 = arith.constant 0 : i32
    %dma_start3A_36 = tpu.memref_slice %arg6[%dma_start3A, %dma_start3A_33, %dma_start3A_34, %dma_start3A_35] : memref<8x8x8x128xf32, #tpu.memory_space<vmem>> -> memref<1x8x8x128xf32, #tpu.memory_space<vmem>>
    %dma_start3A_37 = tpu.memref_squeeze %dma_start3A_36 : memref<1x8x8x128xf32, #tpu.memory_space<vmem>> -> memref<8x8x128xf32, #tpu.memory_space<vmem>>
    %dma_start3A_38 = arith.constant 0 : i32
    %dma_start3A_39 = arith.constant 0 : i32
    %dma_start3A_40 = arith.constant 0 : i32
    %dma_start3A_41 = tpu.memref_slice %arg2[%add3A_31, %dma_start3A_38, %shift_right_arithmetic3A_32, %dma_start3A_39, %dma_start3A_40] : memref<16x8x256x8x128xf32, #tpu.memory_space<hbm>> -> memref<1x8x1x8x128xf32, #tpu.memory_space<hbm>>
    %dma_start3A_42 = tpu.memref_squeeze %dma_start3A_41 : memref<1x8x1x8x128xf32, #tpu.memory_space<hbm>> -> memref<8x8x128xf32, #tpu.memory_space<hbm>>
    %dma_start3A_43 = arith.constant 0 : i32
    %dma_start3A_44 = arith.constant 0 : i32
    %dma_start3A_45 = arith.constant 0 : i32
    %dma_start3A_46 = tpu.memref_slice %arg6[%dma_start3A, %dma_start3A_43, %dma_start3A_44, %dma_start3A_45] : memref<8x8x8x128xf32, #tpu.memory_space<vmem>> -> memref<1x8x8x128xf32, #tpu.memory_space<vmem>>
    %dma_start3A_47 = tpu.memref_squeeze %dma_start3A_46 : memref<1x8x8x128xf32, #tpu.memory_space<vmem>> -> memref<8x8x128xf32, #tpu.memory_space<vmem>>
    %dma_start3A_48 = arith.constant 0 : i32
    %dma_start3A_49 = arith.constant 0 : i32
    %dma_start3A_50 = arith.constant 0 : i32
    %dma_start3A_51 = tpu.memref_slice %arg2[%add3A_31, %dma_start3A_48, %shift_right_arithmetic3A_32, %dma_start3A_49, %dma_start3A_50] : memref<16x8x256x8x128xf32, #tpu.memory_space<hbm>> -> memref<1x8x1x8x128xf32, #tpu.memory_space<hbm>>
    %dma_start3A_52 = tpu.memref_squeeze %dma_start3A_51 : memref<1x8x1x8x128xf32, #tpu.memory_space<hbm>> -> memref<8x8x128xf32, #tpu.memory_space<hbm>>
    tpu.enqueue_dma source(%dma_start3A_52 : memref<8x8x128xf32, #tpu.memory_space<hbm>>) target(%dma_start3A_47 : memref<8x8x128xf32, #tpu.memory_space<vmem>>) target_semaphore(%arg8 : memref<!tpu.dma_semaphore, #tpu.memory_space<semaphore_mem>>)
    %jit3A_53 = arith.constant 16 : i32
    %eq3A_54 = arith.constant 0 : i32
    %eq3A_55 = arith.cmpi eq, %jit3A_53, %eq3A_54 : i32
    %jit3A_56 = arith.constant 1 : i32
    %select_n3A_57 = arith.select %eq3A_55, %jit3A_56, %jit3A_53 : i32
    %rem3A_58 = arith.remsi %mul3A_0, %select_n3A_57 : i32
    %ne3A_59 = arith.constant 0 : i32
    %ne3A_60 = arith.cmpi ne, %rem3A_58, %ne3A_59 : i32
    %lt3A_61 = arith.constant 0 : i32
    %lt3A_62 = arith.cmpi slt, %rem3A_58, %lt3A_61 : i32
    %lt3A_63 = arith.constant 0 : i32
    %lt3A_64 = arith.cmpi slt, %select_n3A_57, %lt3A_63 : i32
    %ne3A_65 = arith.xori %lt3A_62, %lt3A_64 : i1
    %and3A_66 = arith.andi %ne3A_65, %ne3A_60 : i1
    %add3A_67 = arith.addi %rem3A_58, %select_n3A_57 : i32
    %select_n3A_68 = arith.select %and3A_66, %add3A_67, %rem3A_58 : i32
    %add3A_69 = arith.constant 1 : i32
    %add3A_70 = arith.addi %select_n3A_68, %add3A_69 : i32
    %broadcast_in_dim3A_71 = vector.broadcast %add3A_70 : i32 to vector<16xi32>
    %gather3A_72 = tpu.vector_load_idx %arg5[%broadcast_in_dim3A_71] : memref<16xi32, #tpu.memory_space<vmem>>[vector<16xi32>], vector<16xi32>,
    %slice3A_73 = vector.extract_strided_slice %gather3A_72 {offsets = [0], sizes = [1], strides = [1]} : vector<16xi32> to vector<1xi32>
    %squeeze3A_74 = vector.extract %slice3A_73[0] : i32 from vector<1xi32>
    %shift_right_arithmetic3A_75 = arith.constant 7 : i32
    %shift_right_arithmetic3A_76 = arith.shrsi %squeeze3A_74, %shift_right_arithmetic3A_75 : i32
    %dma_start3A_77 = arith.constant 1 : i32
    %dma_start3A_78 = arith.constant 0 : i32
    %dma_start3A_79 = arith.constant 0 : i32
    %dma_start3A_80 = arith.constant 0 : i32
    %dma_start3A_81 = tpu.memref_slice %arg6[%dma_start3A_77, %dma_start3A_78, %dma_start3A_79, %dma_start3A_80] : memref<8x8x8x128xf32, #tpu.memory_space<vmem>> -> memref<1x8x8x128xf32, #tpu.memory_space<vmem>>
    %dma_start3A_82 = tpu.memref_squeeze %dma_start3A_81 : memref<1x8x8x128xf32, #tpu.memory_space<vmem>> -> memref<8x8x128xf32, #tpu.memory_space<vmem>>
    %dma_start3A_83 = arith.constant 0 : i32
    %dma_start3A_84 = arith.constant 0 : i32
    %dma_start3A_85 = arith.constant 0 : i32
    %dma_start3A_86 = tpu.memref_slice %arg2[%add3A_70, %dma_start3A_83, %shift_right_arithmetic3A_76, %dma_start3A_84, %dma_start3A_85] : memref<16x8x256x8x128xf32, #tpu.memory_space<hbm>> -> memref<1x8x1x8x128xf32, #tpu.memory_space<hbm>>
    %dma_start3A_87 = tpu.memref_squeeze %dma_start3A_86 : memref<1x8x1x8x128xf32, #tpu.memory_space<hbm>> -> memref<8x8x128xf32, #tpu.memory_space<hbm>>
    %dma_start3A_88 = arith.constant 0 : i32
    %dma_start3A_89 = arith.constant 0 : i32
    %dma_start3A_90 = arith.constant 0 : i32
    %dma_start3A_91 = tpu.memref_slice %arg6[%dma_start3A_77, %dma_start3A_88, %dma_start3A_89, %dma_start3A_90] : memref<8x8x8x128xf32, #tpu.memory_space<vmem>> -> memref<1x8x8x128xf32, #tpu.memory_space<vmem>>
    %dma_start3A_92 = tpu.memref_squeeze %dma_start3A_91 : memref<1x8x8x128xf32, #tpu.memory_space<vmem>> -> memref<8x8x128xf32, #tpu.memory_space<vmem>>
    %dma_start3A_93 = arith.constant 0 : i32
    %dma_start3A_94 = arith.constant 0 : i32
    %dma_start3A_95 = arith.constant 0 : i32
    %dma_start3A_96 = tpu.memref_slice %arg2[%add3A_70, %dma_start3A_93, %shift_right_arithmetic3A_76, %dma_start3A_94, %dma_start3A_95] : memref<16x8x256x8x128xf32, #tpu.memory_space<hbm>> -> memref<1x8x1x8x128xf32, #tpu.memory_space<hbm>>
    %dma_start3A_97 = tpu.memref_squeeze %dma_start3A_96 : memref<1x8x1x8x128xf32, #tpu.memory_space<hbm>> -> memref<8x8x128xf32, #tpu.memory_space<hbm>>
    tpu.enqueue_dma source(%dma_start3A_97 : memref<8x8x128xf32, #tpu.memory_space<hbm>>) target(%dma_start3A_92 : memref<8x8x128xf32, #tpu.memory_space<vmem>>) target_semaphore(%arg8 : memref<!tpu.dma_semaphore, #tpu.memory_space<semaphore_mem>>)
    %jit3A_98 = arith.constant 16 : i32
    %eq3A_99 = arith.constant 0 : i32
    %eq3A_100 = arith.cmpi eq, %jit3A_98, %eq3A_99 : i32
    %jit3A_101 = arith.constant 1 : i32
    %select_n3A_102 = arith.select %eq3A_100, %jit3A_101, %jit3A_98 : i32
    %rem3A_103 = arith.remsi %mul3A_0, %select_n3A_102 : i32
    %ne3A_104 = arith.constant 0 : i32
    %ne3A_105 = arith.cmpi ne, %rem3A_103, %ne3A_104 : i32
    %lt3A_106 = arith.constant 0 : i32
    %lt3A_107 = arith.cmpi slt, %rem3A_103, %lt3A_106 : i32
    %lt3A_108 = arith.constant 0 : i32
    %lt3A_109 = arith.cmpi slt, %select_n3A_102, %lt3A_108 : i32
    %ne3A_110 = arith.xori %lt3A_107, %lt3A_109 : i1
    %and3A_111 = arith.andi %ne3A_110, %ne3A_105 : i1
    %add3A_112 = arith.addi %rem3A_103, %select_n3A_102 : i32
    %select_n3A_113 = arith.select %and3A_111, %add3A_112, %rem3A_103 : i32
    %add3A_114 = arith.constant 2 : i32
    %add3A_115 = arith.addi %select_n3A_113, %add3A_114 : i32
    %broadcast_in_dim3A_116 = vector.broadcast %add3A_115 : i32 to vector<16xi32>
    %gather3A_117 = tpu.vector_load_idx %arg5[%broadcast_in_dim3A_116] : memref<16xi32, #tpu.memory_space<vmem>>[vector<16xi32>], vector<16xi32>,
    %slice3A_118 = vector.extract_strided_slice %gather3A_117 {offsets = [0], sizes = [1], strides = [1]} : vector<16xi32> to vector<1xi32>
    %squeeze3A_119 = vector.extract %slice3A_118[0] : i32 from vector<1xi32>
    %shift_right_arithmetic3A_120 = arith.constant 7 : i32
    %shift_right_arithmetic3A_121 = arith.shrsi %squeeze3A_119, %shift_right_arithmetic3A_120 : i32
    %dma_start3A_122 = arith.constant 2 : i32
    %dma_start3A_123 = arith.constant 0 : i32
    %dma_start3A_124 = arith.constant 0 : i32
    %dma_start3A_125 = arith.constant 0 : i32
    %dma_start3A_126 = tpu.memref_slice %arg6[%dma_start3A_122, %dma_start3A_123, %dma_start3A_124, %dma_start3A_125] : memref<8x8x8x128xf32, #tpu.memory_space<vmem>> -> memref<1x8x8x128xf32, #tpu.memory_space<vmem>>
    %dma_start3A_127 = tpu.memref_squeeze %dma_start3A_126 : memref<1x8x8x128xf32, #tpu.memory_space<vmem>> -> memref<8x8x128xf32, #tpu.memory_space<vmem>>
    %dma_start3A_128 = arith.constant 0 : i32
    %dma_start3A_129 = arith.constant 0 : i32
    %dma_start3A_130 = arith.constant 0 : i32
    %dma_start3A_131 = tpu.memref_slice %arg2[%add3A_115, %dma_start3A_128, %shift_right_arithmetic3A_121, %dma_start3A_129, %dma_start3A_130] : memref<16x8x256x8x128xf32, #tpu.memory_space<hbm>> -> memref<1x8x1x8x128xf32, #tpu.memory_space<hbm>>
    %dma_start3A_132 = tpu.memref_squeeze %dma_start3A_131 : memref<1x8x1x8x128xf32, #tpu.memory_space<hbm>> -> memref<8x8x128xf32, #tpu.memory_space<hbm>>
    %dma_start3A_133 = arith.constant 0 : i32
    %dma_start3A_134 = arith.constant 0 : i32
    %dma_start3A_135 = arith.constant 0 : i32
    %dma_start3A_136 = tpu.memref_slice %arg6[%dma_start3A_122, %dma_start3A_133, %dma_start3A_134, %dma_start3A_135] : memref<8x8x8x128xf32, #tpu.memory_space<vmem>> -> memref<1x8x8x128xf32, #tpu.memory_space<vmem>>
    %dma_start3A_137 = tpu.memref_squeeze %dma_start3A_136 : memref<1x8x8x128xf32, #tpu.memory_space<vmem>> -> memref<8x8x128xf32, #tpu.memory_space<vmem>>
    %dma_start3A_138 = arith.constant 0 : i32
    %dma_start3A_139 = arith.constant 0 : i32
    %dma_start3A_140 = arith.constant 0 : i32
    %dma_start3A_141 = tpu.memref_slice %arg2[%add3A_115, %dma_start3A_138, %shift_right_arithmetic3A_121, %dma_start3A_139, %dma_start3A_140] : memref<16x8x256x8x128xf32, #tpu.memory_space<hbm>> -> memref<1x8x1x8x128xf32, #tpu.memory_space<hbm>>
    %dma_start3A_142 = tpu.memref_squeeze %dma_start3A_141 : memref<1x8x1x8x128xf32, #tpu.memory_space<hbm>> -> memref<8x8x128xf32, #tpu.memory_space<hbm>>
    tpu.enqueue_dma source(%dma_start3A_142 : memref<8x8x128xf32, #tpu.memory_space<hbm>>) target(%dma_start3A_137 : memref<8x8x128xf32, #tpu.memory_space<vmem>>) target_semaphore(%arg8 : memref<!tpu.dma_semaphore, #tpu.memory_space<semaphore_mem>>)
    %jit3A_143 = arith.constant 16 : i32
    %eq3A_144 = arith.constant 0 : i32
    %eq3A_145 = arith.cmpi eq, %jit3A_143, %eq3A_144 : i32
    %jit3A_146 = arith.constant 1 : i32
    %select_n3A_147 = arith.select %eq3A_145, %jit3A_146, %jit3A_143 : i32
    %rem3A_148 = arith.remsi %mul3A_0, %select_n3A_147 : i32
    %ne3A_149 = arith.constant 0 : i32
    %ne3A_150 = arith.cmpi ne, %rem3A_148, %ne3A_149 : i32
    %lt3A_151 = arith.constant 0 : i32
    %lt3A_152 = arith.cmpi slt, %rem3A_148, %lt3A_151 : i32
    %lt3A_153 = arith.constant 0 : i32
    %lt3A_154 = arith.cmpi slt, %select_n3A_147, %lt3A_153 : i32
    %ne3A_155 = arith.xori %lt3A_152, %lt3A_154 : i1
    %and3A_156 = arith.andi %ne3A_155, %ne3A_150 : i1
    %add3A_157 = arith.addi %rem3A_148, %select_n3A_147 : i32
    %select_n3A_158 = arith.select %and3A_156, %add3A_157, %rem3A_148 : i32
    %add3A_159 = arith.constant 3 : i32
    %add3A_160 = arith.addi %select_n3A_158, %add3A_159 : i32
    %broadcast_in_dim3A_161 = vector.broadcast %add3A_160 : i32 to vector<16xi32>
    %gather3A_162 = tpu.vector_load_idx %arg5[%broadcast_in_dim3A_161] : memref<16xi32, #tpu.memory_space<vmem>>[vector<16xi32>], vector<16xi32>,
    %slice3A_163 = vector.extract_strided_slice %gather3A_162 {offsets = [0], sizes = [1], strides = [1]} : vector<16xi32> to vector<1xi32>
    %squeeze3A_164 = vector.extract %slice3A_163[0] : i32 from vector<1xi32>
    %shift_right_arithmetic3A_165 = arith.constant 7 : i32
    %shift_right_arithmetic3A_166 = arith.shrsi %squeeze3A_164, %shift_right_arithmetic3A_165 : i32
    %dma_start3A_167 = arith.constant 3 : i32
    %dma_start3A_168 = arith.constant 0 : i32
    %dma_start3A_169 = arith.constant 0 : i32
    %dma_start3A_170 = arith.constant 0 : i32
    %dma_start3A_171 = tpu.memref_slice %arg6[%dma_start3A_167, %dma_start3A_168, %dma_start3A_169, %dma_start3A_170] : memref<8x8x8x128xf32, #tpu.memory_space<vmem>> -> memref<1x8x8x128xf32, #tpu.memory_space<vmem>>
    %dma_start3A_172 = tpu.memref_squeeze %dma_start3A_171 : memref<1x8x8x128xf32, #tpu.memory_space<vmem>> -> memref<8x8x128xf32, #tpu.memory_space<vmem>>
    %dma_start3A_173 = arith.constant 0 : i32
    %dma_start3A_174 = arith.constant 0 : i32
    %dma_start3A_175 = arith.constant 0 : i32
    %dma_start3A_176 = tpu.memref_slice %arg2[%add3A_160, %dma_start3A_173, %shift_right_arithmetic3A_166, %dma_start3A_174, %dma_start3A_175] : memref<16x8x256x8x128xf32, #tpu.memory_space<hbm>> -> memref<1x8x1x8x128xf32, #tpu.memory_space<hbm>>
    %dma_start3A_177 = tpu.memref_squeeze %dma_start3A_176 : memref<1x8x1x8x128xf32, #tpu.memory_space<hbm>> -> memref<8x8x128xf32, #tpu.memory_space<hbm>>
    %dma_start3A_178 = arith.constant 0 : i32
    %dma_start3A_179 = arith.constant 0 : i32
    %dma_start3A_180 = arith.constant 0 : i32
    %dma_start3A_181 = tpu.memref_slice %arg6[%dma_start3A_167, %dma_start3A_178, %dma_start3A_179, %dma_start3A_180] : memref<8x8x8x128xf32, #tpu.memory_space<vmem>> -> memref<1x8x8x128xf32, #tpu.memory_space<vmem>>
    %dma_start3A_182 = tpu.memref_squeeze %dma_start3A_181 : memref<1x8x8x128xf32, #tpu.memory_space<vmem>> -> memref<8x8x128xf32, #tpu.memory_space<vmem>>
    %dma_start3A_183 = arith.constant 0 : i32
    %dma_start3A_184 = arith.constant 0 : i32
    %dma_start3A_185 = arith.constant 0 : i32
    %dma_start3A_186 = tpu.memref_slice %arg2[%add3A_160, %dma_start3A_183, %shift_right_arithmetic3A_166, %dma_start3A_184, %dma_start3A_185] : memref<16x8x256x8x128xf32, #tpu.memory_space<hbm>> -> memref<1x8x1x8x128xf32, #tpu.memory_space<hbm>>
    %dma_start3A_187 = tpu.memref_squeeze %dma_start3A_186 : memref<1x8x1x8x128xf32, #tpu.memory_space<hbm>> -> memref<8x8x128xf32, #tpu.memory_space<hbm>>
    tpu.enqueue_dma source(%dma_start3A_187 : memref<8x8x128xf32, #tpu.memory_space<hbm>>) target(%dma_start3A_182 : memref<8x8x128xf32, #tpu.memory_space<vmem>>) target_semaphore(%arg8 : memref<!tpu.dma_semaphore, #tpu.memory_space<semaphore_mem>>)
    %jit3A_188 = arith.constant 16 : i32
    %eq3A_189 = arith.constant 0 : i32
    %eq3A_190 = arith.cmpi eq, %jit3A_188, %eq3A_189 : i32
    %jit3A_191 = arith.constant 1 : i32
    %select_n3A_192 = arith.select %eq3A_190, %jit3A_191, %jit3A_188 : i32
    %rem3A_193 = arith.remsi %mul3A_0, %select_n3A_192 : i32
    %ne3A_194 = arith.constant 0 : i32
    %ne3A_195 = arith.cmpi ne, %rem3A_193, %ne3A_194 : i32
    %lt3A_196 = arith.constant 0 : i32
    %lt3A_197 = arith.cmpi slt, %rem3A_193, %lt3A_196 : i32
    %lt3A_198 = arith.constant 0 : i32
    %lt3A_199 = arith.cmpi slt, %select_n3A_192, %lt3A_198 : i32
    %ne3A_200 = arith.xori %lt3A_197, %lt3A_199 : i1
    %and3A_201 = arith.andi %ne3A_200, %ne3A_195 : i1
    %add3A_202 = arith.addi %rem3A_193, %select_n3A_192 : i32
    %select_n3A_203 = arith.select %and3A_201, %add3A_202, %rem3A_193 : i32
    %add3A_204 = arith.constant 4 : i32
    %add3A_205 = arith.addi %select_n3A_203, %add3A_204 : i32
    %broadcast_in_dim3A_206 = vector.broadcast %add3A_205 : i32 to vector<16xi32>
    %gather3A_207 = tpu.vector_load_idx %arg5[%broadcast_in_dim3A_206] : memref<16xi32, #tpu.memory_space<vmem>>[vector<16xi32>], vector<16xi32>,
    %slice3A_208 = vector.extract_strided_slice %gather3A_207 {offsets = [0], sizes = [1], strides = [1]} : vector<16xi32> to vector<1xi32>
    %squeeze3A_209 = vector.extract %slice3A_208[0] : i32 from vector<1xi32>
    %shift_right_arithmetic3A_210 = arith.constant 7 : i32
    %shift_right_arithmetic3A_211 = arith.shrsi %squeeze3A_209, %shift_right_arithmetic3A_210 : i32
    %dma_start3A_212 = arith.constant 4 : i32
    %dma_start3A_213 = arith.constant 0 : i32
    %dma_start3A_214 = arith.constant 0 : i32
    %dma_start3A_215 = arith.constant 0 : i32
    %dma_start3A_216 = tpu.memref_slice %arg6[%dma_start3A_212, %dma_start3A_213, %dma_start3A_214, %dma_start3A_215] : memref<8x8x8x128xf32, #tpu.memory_space<vmem>> -> memref<1x8x8x128xf32, #tpu.memory_space<vmem>>
    %dma_start3A_217 = tpu.memref_squeeze %dma_start3A_216 : memref<1x8x8x128xf32, #tpu.memory_space<vmem>> -> memref<8x8x128xf32, #tpu.memory_space<vmem>>
    %dma_start3A_218 = arith.constant 0 : i32
    %dma_start3A_219 = arith.constant 0 : i32
    %dma_start3A_220 = arith.constant 0 : i32
    %dma_start3A_221 = tpu.memref_slice %arg2[%add3A_205, %dma_start3A_218, %shift_right_arithmetic3A_211, %dma_start3A_219, %dma_start3A_220] : memref<16x8x256x8x128xf32, #tpu.memory_space<hbm>> -> memref<1x8x1x8x128xf32, #tpu.memory_space<hbm>>
    %dma_start3A_222 = tpu.memref_squeeze %dma_start3A_221 : memref<1x8x1x8x128xf32, #tpu.memory_space<hbm>> -> memref<8x8x128xf32, #tpu.memory_space<hbm>>
    %dma_start3A_223 = arith.constant 0 : i32
    %dma_start3A_224 = arith.constant 0 : i32
    %dma_start3A_225 = arith.constant 0 : i32
    %dma_start3A_226 = tpu.memref_slice %arg6[%dma_start3A_212, %dma_start3A_223, %dma_start3A_224, %dma_start3A_225] : memref<8x8x8x128xf32, #tpu.memory_space<vmem>> -> memref<1x8x8x128xf32, #tpu.memory_space<vmem>>
    %dma_start3A_227 = tpu.memref_squeeze %dma_start3A_226 : memref<1x8x8x128xf32, #tpu.memory_space<vmem>> -> memref<8x8x128xf32, #tpu.memory_space<vmem>>
    %dma_start3A_228 = arith.constant 0 : i32
    %dma_start3A_229 = arith.constant 0 : i32
    %dma_start3A_230 = arith.constant 0 : i32
    %dma_start3A_231 = tpu.memref_slice %arg2[%add3A_205, %dma_start3A_228, %shift_right_arithmetic3A_211, %dma_start3A_229, %dma_start3A_230] : memref<16x8x256x8x128xf32, #tpu.memory_space<hbm>> -> memref<1x8x1x8x128xf32, #tpu.memory_space<hbm>>
    %dma_start3A_232 = tpu.memref_squeeze %dma_start3A_231 : memref<1x8x1x8x128xf32, #tpu.memory_space<hbm>> -> memref<8x8x128xf32, #tpu.memory_space<hbm>>
    tpu.enqueue_dma source(%dma_start3A_232 : memref<8x8x128xf32, #tpu.memory_space<hbm>>) target(%dma_start3A_227 : memref<8x8x128xf32, #tpu.memory_space<vmem>>) target_semaphore(%arg8 : memref<!tpu.dma_semaphore, #tpu.memory_space<semaphore_mem>>)
    %jit3A_233 = arith.constant 16 : i32
    %eq3A_234 = arith.constant 0 : i32
    %eq3A_235 = arith.cmpi eq, %jit3A_233, %eq3A_234 : i32
    %jit3A_236 = arith.constant 1 : i32
    %select_n3A_237 = arith.select %eq3A_235, %jit3A_236, %jit3A_233 : i32
    %rem3A_238 = arith.remsi %mul3A_0, %select_n3A_237 : i32
    %ne3A_239 = arith.constant 0 : i32
    %ne3A_240 = arith.cmpi ne, %rem3A_238, %ne3A_239 : i32
    %lt3A_241 = arith.constant 0 : i32
    %lt3A_242 = arith.cmpi slt, %rem3A_238, %lt3A_241 : i32
    %lt3A_243 = arith.constant 0 : i32
    %lt3A_244 = arith.cmpi slt, %select_n3A_237, %lt3A_243 : i32
    %ne3A_245 = arith.xori %lt3A_242, %lt3A_244 : i1
    %and3A_246 = arith.andi %ne3A_245, %ne3A_240 : i1
    %add3A_247 = arith.addi %rem3A_238, %select_n3A_237 : i32
    %select_n3A_248 = arith.select %and3A_246, %add3A_247, %rem3A_238 : i32
    %add3A_249 = arith.constant 5 : i32
    %add3A_250 = arith.addi %select_n3A_248, %add3A_249 : i32
    %broadcast_in_dim3A_251 = vector.broadcast %add3A_250 : i32 to vector<16xi32>
    %gather3A_252 = tpu.vector_load_idx %arg5[%broadcast_in_dim3A_251] : memref<16xi32, #tpu.memory_space<vmem>>[vector<16xi32>], vector<16xi32>,
    %slice3A_253 = vector.extract_strided_slice %gather3A_252 {offsets = [0], sizes = [1], strides = [1]} : vector<16xi32> to vector<1xi32>
    %squeeze3A_254 = vector.extract %slice3A_253[0] : i32 from vector<1xi32>
    %shift_right_arithmetic3A_255 = arith.constant 7 : i32
    %shift_right_arithmetic3A_256 = arith.shrsi %squeeze3A_254, %shift_right_arithmetic3A_255 : i32
    %dma_start3A_257 = arith.constant 5 : i32
    %dma_start3A_258 = arith.constant 0 : i32
    %dma_start3A_259 = arith.constant 0 : i32
    %dma_start3A_260 = arith.constant 0 : i32
    %dma_start3A_261 = tpu.memref_slice %arg6[%dma_start3A_257, %dma_start3A_258, %dma_start3A_259, %dma_start3A_260] : memref<8x8x8x128xf32, #tpu.memory_space<vmem>> -> memref<1x8x8x128xf32, #tpu.memory_space<vmem>>
    %dma_start3A_262 = tpu.memref_squeeze %dma_start3A_261 : memref<1x8x8x128xf32, #tpu.memory_space<vmem>> -> memref<8x8x128xf32, #tpu.memory_space<vmem>>
    %dma_start3A_263 = arith.constant 0 : i32
    %dma_start3A_264 = arith.constant 0 : i32
    %dma_start3A_265 = arith.constant 0 : i32
    %dma_start3A_266 = tpu.memref_slice %arg2[%add3A_250, %dma_start3A_263, %shift_right_arithmetic3A_256, %dma_start3A_264, %dma_start3A_265] : memref<16x8x256x8x128xf32, #tpu.memory_space<hbm>> -> memref<1x8x1x8x128xf32, #tpu.memory_space<hbm>>
    %dma_start3A_267 = tpu.memref_squeeze %dma_start3A_266 : memref<1x8x1x8x128xf32, #tpu.memory_space<hbm>> -> memref<8x8x128xf32, #tpu.memory_space<hbm>>
    %dma_start3A_268 = arith.constant 0 : i32
    %dma_start3A_269 = arith.constant 0 : i32
    %dma_start3A_270 = arith.constant 0 : i32
    %dma_start3A_271 = tpu.memref_slice %arg6[%dma_start3A_257, %dma_start3A_268, %dma_start3A_269, %dma_start3A_270] : memref<8x8x8x128xf32, #tpu.memory_space<vmem>> -> memref<1x8x8x128xf32, #tpu.memory_space<vmem>>
    %dma_start3A_272 = tpu.memref_squeeze %dma_start3A_271 : memref<1x8x8x128xf32, #tpu.memory_space<vmem>> -> memref<8x8x128xf32, #tpu.memory_space<vmem>>
    %dma_start3A_273 = arith.constant 0 : i32
    %dma_start3A_274 = arith.constant 0 : i32
    %dma_start3A_275 = arith.constant 0 : i32
    %dma_start3A_276 = tpu.memref_slice %arg2[%add3A_250, %dma_start3A_273, %shift_right_arithmetic3A_256, %dma_start3A_274, %dma_start3A_275] : memref<16x8x256x8x128xf32, #tpu.memory_space<hbm>> -> memref<1x8x1x8x128xf32, #tpu.memory_space<hbm>>
    %dma_start3A_277 = tpu.memref_squeeze %dma_start3A_276 : memref<1x8x1x8x128xf32, #tpu.memory_space<hbm>> -> memref<8x8x128xf32, #tpu.memory_space<hbm>>
    tpu.enqueue_dma source(%dma_start3A_277 : memref<8x8x128xf32, #tpu.memory_space<hbm>>) target(%dma_start3A_272 : memref<8x8x128xf32, #tpu.memory_space<vmem>>) target_semaphore(%arg8 : memref<!tpu.dma_semaphore, #tpu.memory_space<semaphore_mem>>)
    %jit3A_278 = arith.constant 16 : i32
    %eq3A_279 = arith.constant 0 : i32
    %eq3A_280 = arith.cmpi eq, %jit3A_278, %eq3A_279 : i32
    %jit3A_281 = arith.constant 1 : i32
    %select_n3A_282 = arith.select %eq3A_280, %jit3A_281, %jit3A_278 : i32
    %rem3A_283 = arith.remsi %mul3A_0, %select_n3A_282 : i32
    %ne3A_284 = arith.constant 0 : i32
    %ne3A_285 = arith.cmpi ne, %rem3A_283, %ne3A_284 : i32
    %lt3A_286 = arith.constant 0 : i32
    %lt3A_287 = arith.cmpi slt, %rem3A_283, %lt3A_286 : i32
    %lt3A_288 = arith.constant 0 : i32
    %lt3A_289 = arith.cmpi slt, %select_n3A_282, %lt3A_288 : i32
    %ne3A_290 = arith.xori %lt3A_287, %lt3A_289 : i1
    %and3A_291 = arith.andi %ne3A_290, %ne3A_285 : i1
    %add3A_292 = arith.addi %rem3A_283, %select_n3A_282 : i32
    %select_n3A_293 = arith.select %and3A_291, %add3A_292, %rem3A_283 : i32
    %add3A_294 = arith.constant 6 : i32
    %add3A_295 = arith.addi %select_n3A_293, %add3A_294 : i32
    %broadcast_in_dim3A_296 = vector.broadcast %add3A_295 : i32 to vector<16xi32>
    %gather3A_297 = tpu.vector_load_idx %arg5[%broadcast_in_dim3A_296] : memref<16xi32, #tpu.memory_space<vmem>>[vector<16xi32>], vector<16xi32>,
    %slice3A_298 = vector.extract_strided_slice %gather3A_297 {offsets = [0], sizes = [1], strides = [1]} : vector<16xi32> to vector<1xi32>
    %squeeze3A_299 = vector.extract %slice3A_298[0] : i32 from vector<1xi32>
    %shift_right_arithmetic3A_300 = arith.constant 7 : i32
    %shift_right_arithmetic3A_301 = arith.shrsi %squeeze3A_299, %shift_right_arithmetic3A_300 : i32
    %dma_start3A_302 = arith.constant 6 : i32
    %dma_start3A_303 = arith.constant 0 : i32
    %dma_start3A_304 = arith.constant 0 : i32
    %dma_start3A_305 = arith.constant 0 : i32
    %dma_start3A_306 = tpu.memref_slice %arg6[%dma_start3A_302, %dma_start3A_303, %dma_start3A_304, %dma_start3A_305] : memref<8x8x8x128xf32, #tpu.memory_space<vmem>> -> memref<1x8x8x128xf32, #tpu.memory_space<vmem>>
    %dma_start3A_307 = tpu.memref_squeeze %dma_start3A_306 : memref<1x8x8x128xf32, #tpu.memory_space<vmem>> -> memref<8x8x128xf32, #tpu.memory_space<vmem>>
    %dma_start3A_308 = arith.constant 0 : i32
    %dma_start3A_309 = arith.constant 0 : i32
    %dma_start3A_310 = arith.constant 0 : i32
    %dma_start3A_311 = tpu.memref_slice %arg2[%add3A_295, %dma_start3A_308, %shift_right_arithmetic3A_301, %dma_start3A_309, %dma_start3A_310] : memref<16x8x256x8x128xf32, #tpu.memory_space<hbm>> -> memref<1x8x1x8x128xf32, #tpu.memory_space<hbm>>
    %dma_start3A_312 = tpu.memref_squeeze %dma_start3A_311 : memref<1x8x1x8x128xf32, #tpu.memory_space<hbm>> -> memref<8x8x128xf32, #tpu.memory_space<hbm>>
    %dma_start3A_313 = arith.constant 0 : i32
    %dma_start3A_314 = arith.constant 0 : i32
    %dma_start3A_315 = arith.constant 0 : i32
    %dma_start3A_316 = tpu.memref_slice %arg6[%dma_start3A_302, %dma_start3A_313, %dma_start3A_314, %dma_start3A_315] : memref<8x8x8x128xf32, #tpu.memory_space<vmem>> -> memref<1x8x8x128xf32, #tpu.memory_space<vmem>>
    %dma_start3A_317 = tpu.memref_squeeze %dma_start3A_316 : memref<1x8x8x128xf32, #tpu.memory_space<vmem>> -> memref<8x8x128xf32, #tpu.memory_space<vmem>>
    %dma_start3A_318 = arith.constant 0 : i32
    %dma_start3A_319 = arith.constant 0 : i32
    %dma_start3A_320 = arith.constant 0 : i32
    %dma_start3A_321 = tpu.memref_slice %arg2[%add3A_295, %dma_start3A_318, %shift_right_arithmetic3A_301, %dma_start3A_319, %dma_start3A_320] : memref<16x8x256x8x128xf32, #tpu.memory_space<hbm>> -> memref<1x8x1x8x128xf32, #tpu.memory_space<hbm>>
    %dma_start3A_322 = tpu.memref_squeeze %dma_start3A_321 : memref<1x8x1x8x128xf32, #tpu.memory_space<hbm>> -> memref<8x8x128xf32, #tpu.memory_space<hbm>>
    tpu.enqueue_dma source(%dma_start3A_322 : memref<8x8x128xf32, #tpu.memory_space<hbm>>) target(%dma_start3A_317 : memref<8x8x128xf32, #tpu.memory_space<vmem>>) target_semaphore(%arg8 : memref<!tpu.dma_semaphore, #tpu.memory_space<semaphore_mem>>)
    %jit3A_323 = arith.constant 16 : i32
    %eq3A_324 = arith.constant 0 : i32
    %eq3A_325 = arith.cmpi eq, %jit3A_323, %eq3A_324 : i32
    %jit3A_326 = arith.constant 1 : i32
    %select_n3A_327 = arith.select %eq3A_325, %jit3A_326, %jit3A_323 : i32
    %rem3A_328 = arith.remsi %mul3A_0, %select_n3A_327 : i32
    %ne3A_329 = arith.constant 0 : i32
    %ne3A_330 = arith.cmpi ne, %rem3A_328, %ne3A_329 : i32
    %lt3A_331 = arith.constant 0 : i32
    %lt3A_332 = arith.cmpi slt, %rem3A_328, %lt3A_331 : i32
    %lt3A_333 = arith.constant 0 : i32
    %lt3A_334 = arith.cmpi slt, %select_n3A_327, %lt3A_333 : i32
    %ne3A_335 = arith.xori %lt3A_332, %lt3A_334 : i1
    %and3A_336 = arith.andi %ne3A_335, %ne3A_330 : i1
    %add3A_337 = arith.addi %rem3A_328, %select_n3A_327 : i32
    %select_n3A_338 = arith.select %and3A_336, %add3A_337, %rem3A_328 : i32
    %add3A_339 = arith.constant 7 : i32
    %add3A_340 = arith.addi %select_n3A_338, %add3A_339 : i32
    %broadcast_in_dim3A_341 = vector.broadcast %add3A_340 : i32 to vector<16xi32>
    %gather3A_342 = tpu.vector_load_idx %arg5[%broadcast_in_dim3A_341] : memref<16xi32, #tpu.memory_space<vmem>>[vector<16xi32>], vector<16xi32>,
    %slice3A_343 = vector.extract_strided_slice %gather3A_342 {offsets = [0], sizes = [1], strides = [1]} : vector<16xi32> to vector<1xi32>
    %squeeze3A_344 = vector.extract %slice3A_343[0] : i32 from vector<1xi32>
    %shift_right_arithmetic3A_345 = arith.constant 7 : i32
    %shift_right_arithmetic3A_346 = arith.shrsi %squeeze3A_344, %shift_right_arithmetic3A_345 : i32
    %dma_start3A_347 = arith.constant 7 : i32
    %dma_start3A_348 = arith.constant 0 : i32
    %dma_start3A_349 = arith.constant 0 : i32
    %dma_start3A_350 = arith.constant 0 : i32
    %dma_start3A_351 = tpu.memref_slice %arg6[%dma_start3A_347, %dma_start3A_348, %dma_start3A_349, %dma_start3A_350] : memref<8x8x8x128xf32, #tpu.memory_space<vmem>> -> memref<1x8x8x128xf32, #tpu.memory_space<vmem>>
    %dma_start3A_352 = tpu.memref_squeeze %dma_start3A_351 : memref<1x8x8x128xf32, #tpu.memory_space<vmem>> -> memref<8x8x128xf32, #tpu.memory_space<vmem>>
    %dma_start3A_353 = arith.constant 0 : i32
    %dma_start3A_354 = arith.constant 0 : i32
    %dma_start3A_355 = arith.constant 0 : i32
    %dma_start3A_356 = tpu.memref_slice %arg2[%add3A_340, %dma_start3A_353, %shift_right_arithmetic3A_346, %dma_start3A_354, %dma_start3A_355] : memref<16x8x256x8x128xf32, #tpu.memory_space<hbm>> -> memref<1x8x1x8x128xf32, #tpu.memory_space<hbm>>
    %dma_start3A_357 = tpu.memref_squeeze %dma_start3A_356 : memref<1x8x1x8x128xf32, #tpu.memory_space<hbm>> -> memref<8x8x128xf32, #tpu.memory_space<hbm>>
    %dma_start3A_358 = arith.constant 0 : i32
    %dma_start3A_359 = arith.constant 0 : i32
    %dma_start3A_360 = arith.constant 0 : i32
    %dma_start3A_361 = tpu.memref_slice %arg6[%dma_start3A_347, %dma_start3A_358, %dma_start3A_359, %dma_start3A_360] : memref<8x8x8x128xf32, #tpu.memory_space<vmem>> -> memref<1x8x8x128xf32, #tpu.memory_space<vmem>>
    %dma_start3A_362 = tpu.memref_squeeze %dma_start3A_361 : memref<1x8x8x128xf32, #tpu.memory_space<vmem>> -> memref<8x8x128xf32, #tpu.memory_space<vmem>>
    %dma_start3A_363 = arith.constant 0 : i32
    %dma_start3A_364 = arith.constant 0 : i32
    %dma_start3A_365 = arith.constant 0 : i32
    %dma_start3A_366 = tpu.memref_slice %arg2[%add3A_340, %dma_start3A_363, %shift_right_arithmetic3A_346, %dma_start3A_364, %dma_start3A_365] : memref<16x8x256x8x128xf32, #tpu.memory_space<hbm>> -> memref<1x8x1x8x128xf32, #tpu.memory_space<hbm>>
    %dma_start3A_367 = tpu.memref_squeeze %dma_start3A_366 : memref<1x8x1x8x128xf32, #tpu.memory_space<hbm>> -> memref<8x8x128xf32, #tpu.memory_space<hbm>>
    tpu.enqueue_dma source(%dma_start3A_367 : memref<8x8x128xf32, #tpu.memory_space<hbm>>) target(%dma_start3A_362 : memref<8x8x128xf32, #tpu.memory_space<vmem>>) target_semaphore(%arg8 : memref<!tpu.dma_semaphore, #tpu.memory_space<semaphore_mem>>)
    %iota3A = tpu.iota {dimensions = array<i32: 0>} : vector<16xi32>
    %jit3A_368 = arith.constant 16 : i32
    %eq3A_369 = arith.constant 0 : i32
    %eq3A_370 = arith.cmpi eq, %jit3A_368, %eq3A_369 : i32
    %jit3A_371 = arith.constant 1 : i32
    %select_n3A_372 = arith.select %eq3A_370, %jit3A_371, %jit3A_368 : i32
    %rem3A_373 = arith.remsi %mul3A_0, %select_n3A_372 : i32
    %ne3A_374 = arith.constant 0 : i32
    %ne3A_375 = arith.cmpi ne, %rem3A_373, %ne3A_374 : i32
    %lt3A_376 = arith.constant 0 : i32
    %lt3A_377 = arith.cmpi slt, %rem3A_373, %lt3A_376 : i32
    %lt3A_378 = arith.constant 0 : i32
    %lt3A_379 = arith.cmpi slt, %select_n3A_372, %lt3A_378 : i32
    %ne3A_380 = arith.xori %lt3A_377, %lt3A_379 : i1
    %and3A_381 = arith.andi %ne3A_380, %ne3A_375 : i1
    %add3A_382 = arith.addi %rem3A_373, %select_n3A_372 : i32
    %select_n3A_383 = arith.select %and3A_381, %add3A_382, %rem3A_373 : i32
    %add3A_384 = arith.constant 0 : i32
    %add3A_385 = arith.addi %select_n3A_383, %add3A_384 : i32
    %dma_wait3A = arith.constant 0 : i32
    %dma_wait3A_386 = arith.constant 0 : i32
    %dma_wait3A_387 = arith.constant 0 : i32
    %dma_wait3A_388 = arith.constant 0 : i32
    %dma_wait3A_389 = tpu.memref_slice %arg6[%dma_wait3A, %dma_wait3A_386, %dma_wait3A_387, %dma_wait3A_388] : memref<8x8x8x128xf32, #tpu.memory_space<vmem>> -> memref<1x8x8x128xf32, #tpu.memory_space<vmem>>
    %dma_wait3A_390 = tpu.memref_squeeze %dma_wait3A_389 : memref<1x8x8x128xf32, #tpu.memory_space<vmem>> -> memref<8x8x128xf32, #tpu.memory_space<vmem>>
    %dma_wait3A_391 = arith.constant 0 : i32
    %dma_wait3A_392 = arith.constant 0 : i32
    %dma_wait3A_393 = arith.constant 0 : i32
    %dma_wait3A_394 = tpu.memref_slice %arg2[%add3A_31, %dma_wait3A_391, %shift_right_arithmetic3A_32, %dma_wait3A_392, %dma_wait3A_393] : memref<16x8x256x8x128xf32, #tpu.memory_space<hbm>> -> memref<1x8x1x8x128xf32, #tpu.memory_space<hbm>>
    %dma_wait3A_395 = tpu.memref_squeeze %dma_wait3A_394 : memref<1x8x1x8x128xf32, #tpu.memory_space<hbm>> -> memref<8x8x128xf32, #tpu.memory_space<hbm>>
    %dma_wait3A_396 = arith.constant 0 : i32
    %dma_wait3A_397 = arith.constant 0 : i32
    %dma_wait3A_398 = arith.constant 0 : i32
    %dma_wait3A_399 = tpu.memref_slice %arg6[%dma_wait3A, %dma_wait3A_396, %dma_wait3A_397, %dma_wait3A_398] : memref<8x8x8x128xf32, #tpu.memory_space<vmem>> -> memref<1x8x8x128xf32, #tpu.memory_space<vmem>>
    %dma_wait3A_400 = tpu.memref_squeeze %dma_wait3A_399 : memref<1x8x8x128xf32, #tpu.memory_space<vmem>> -> memref<8x8x128xf32, #tpu.memory_space<vmem>>
    %dma_wait3A_401 = arith.constant 0 : i32
    %dma_wait3A_402 = arith.constant 0 : i32
    %dma_wait3A_403 = arith.constant 0 : i32
    %dma_wait3A_404 = tpu.memref_slice %arg2[%add3A_31, %dma_wait3A_401, %shift_right_arithmetic3A_32, %dma_wait3A_402, %dma_wait3A_403] : memref<16x8x256x8x128xf32, #tpu.memory_space<hbm>> -> memref<1x8x1x8x128xf32, #tpu.memory_space<hbm>>
    %dma_wait3A_405 = tpu.memref_squeeze %dma_wait3A_404 : memref<1x8x1x8x128xf32, #tpu.memory_space<hbm>> -> memref<8x8x128xf32, #tpu.memory_space<hbm>>
    tpu.wait_dma2 semaphore(%arg8 : memref<!tpu.dma_semaphore, #tpu.memory_space<semaphore_mem>>) src(%dma_wait3A_405 : memref<8x8x128xf32, #tpu.memory_space<hbm>>) dst(%dma_wait3A_400 : memref<8x8x128xf32, #tpu.memory_space<vmem>>)
    %add3A_406 = arith.constant 0 : i32
    %add3A_407 = vector.broadcast %add3A_406 : i32 to vector<16xi32>
    %add3A_408 = arith.addi %add3A_407, %iota3A : vector<16xi32>
    %broadcast_in_dim3A_409 = arith.constant 0 : i32
    %broadcast_in_dim3A_410 = vector.broadcast %broadcast_in_dim3A_409 : i32 to vector<16xi32>
    %shift_right_arithmetic3A_411 = arith.constant 3 : i32
    %shift_right_arithmetic3A_412 = vector.broadcast %shift_right_arithmetic3A_411 : i32 to vector<16xi32>
    %shift_right_arithmetic3A_413 = arith.shrsi %add3A_408, %shift_right_arithmetic3A_412 : vector<16xi32>
    %and3A_414 = arith.constant 7 : i32
    %and3A_415 = vector.broadcast %and3A_414 : i32 to vector<16xi32>
    %and3A_416 = arith.andi %add3A_408, %and3A_415 : vector<16xi32>
    %and3A_417 = arith.constant 127 : i32
    %and3A_418 = vector.broadcast %and3A_417 : i32 to vector<16xi32>
    %and3A_419 = arith.andi %gather3A, %and3A_418 : vector<16xi32>
    %gather3A_420 = tpu.vector_load_idx %arg6[%broadcast_in_dim3A_410, %shift_right_arithmetic3A_413, %and3A_416, %and3A_419] : memref<8x8x8x128xf32, #tpu.memory_space<vmem>>[vector<16xi32>, vector<16xi32>, vector<16xi32>, vector<16xi32>], vector<16xf32>,
    %swap3A = arith.constant 0 : i32
    %swap3A_421 = arith.index_cast %swap3A : i32 to index
    %swap3A_422 = arith.constant 0 : index
    %swap3A_423 = tpu.vector_load %arg7[%swap3A_421, %swap3A_422] {strides = array<i32>} : memref<8x64xf32, #tpu.memory_space<vmem>>, vector<16xf32>,
    tpu.vector_store %arg7[%swap3A_421, %swap3A_422], %gather3A_420 {strides = array<i32>} : memref<8x64xf32, #tpu.memory_space<vmem>>, vector<16xf32>,
    %add3A_424 = arith.constant 16 : i32
    %add3A_425 = vector.broadcast %add3A_424 : i32 to vector<16xi32>
    %add3A_426 = arith.addi %add3A_425, %iota3A : vector<16xi32>
    %broadcast_in_dim3A_427 = arith.constant 0 : i32
    %broadcast_in_dim3A_428 = vector.broadcast %broadcast_in_dim3A_427 : i32 to vector<16xi32>
    %shift_right_arithmetic3A_429 = arith.constant 3 : i32
    %shift_right_arithmetic3A_430 = vector.broadcast %shift_right_arithmetic3A_429 : i32 to vector<16xi32>
    %shift_right_arithmetic3A_431 = arith.shrsi %add3A_426, %shift_right_arithmetic3A_430 : vector<16xi32>
    %and3A_432 = arith.constant 7 : i32
    %and3A_433 = vector.broadcast %and3A_432 : i32 to vector<16xi32>
    %and3A_434 = arith.andi %add3A_426, %and3A_433 : vector<16xi32>
    %and3A_435 = arith.constant 127 : i32
    %and3A_436 = vector.broadcast %and3A_435 : i32 to vector<16xi32>
    %and3A_437 = arith.andi %gather3A, %and3A_436 : vector<16xi32>
    %gather3A_438 = tpu.vector_load_idx %arg6[%broadcast_in_dim3A_428, %shift_right_arithmetic3A_431, %and3A_434, %and3A_437] : memref<8x8x8x128xf32, #tpu.memory_space<vmem>>[vector<16xi32>, vector<16xi32>, vector<16xi32>, vector<16xi32>], vector<16xf32>,
    %swap3A_439 = arith.constant 0 : i32
    %swap3A_440 = arith.index_cast %swap3A_439 : i32 to index
    %swap3A_441 = arith.constant 16 : index
    %swap3A_442 = tpu.vector_load %arg7[%swap3A_440, %swap3A_441] {strides = array<i32>} : memref<8x64xf32, #tpu.memory_space<vmem>>, vector<16xf32>,
    tpu.vector_store %arg7[%swap3A_440, %swap3A_441], %gather3A_438 {strides = array<i32>} : memref<8x64xf32, #tpu.memory_space<vmem>>, vector<16xf32>,
    %add3A_443 = arith.constant 32 : i32
    %add3A_444 = vector.broadcast %add3A_443 : i32 to vector<16xi32>
    %add3A_445 = arith.addi %add3A_444, %iota3A : vector<16xi32>
    %broadcast_in_dim3A_446 = arith.constant 0 : i32
    %broadcast_in_dim3A_447 = vector.broadcast %broadcast_in_dim3A_446 : i32 to vector<16xi32>
    %shift_right_arithmetic3A_448 = arith.constant 3 : i32
    %shift_right_arithmetic3A_449 = vector.broadcast %shift_right_arithmetic3A_448 : i32 to vector<16xi32>
    %shift_right_arithmetic3A_450 = arith.shrsi %add3A_445, %shift_right_arithmetic3A_449 : vector<16xi32>
    %and3A_451 = arith.constant 7 : i32
    %and3A_452 = vector.broadcast %and3A_451 : i32 to vector<16xi32>
    %and3A_453 = arith.andi %add3A_445, %and3A_452 : vector<16xi32>
    %and3A_454 = arith.constant 127 : i32
    %and3A_455 = vector.broadcast %and3A_454 : i32 to vector<16xi32>
    %and3A_456 = arith.andi %gather3A, %and3A_455 : vector<16xi32>
    %gather3A_457 = tpu.vector_load_idx %arg6[%broadcast_in_dim3A_447, %shift_right_arithmetic3A_450, %and3A_453, %and3A_456] : memref<8x8x8x128xf32, #tpu.memory_space<vmem>>[vector<16xi32>, vector<16xi32>, vector<16xi32>, vector<16xi32>], vector<16xf32>,
    %swap3A_458 = arith.constant 0 : i32
    %swap3A_459 = arith.index_cast %swap3A_458 : i32 to index
    %swap3A_460 = arith.constant 32 : index
    %swap3A_461 = tpu.vector_load %arg7[%swap3A_459, %swap3A_460] {strides = array<i32>} : memref<8x64xf32, #tpu.memory_space<vmem>>, vector<16xf32>,
    tpu.vector_store %arg7[%swap3A_459, %swap3A_460], %gather3A_457 {strides = array<i32>} : memref<8x64xf32, #tpu.memory_space<vmem>>, vector<16xf32>,
    %add3A_462 = arith.constant 48 : i32
    %add3A_463 = vector.broadcast %add3A_462 : i32 to vector<16xi32>
    %add3A_464 = arith.addi %add3A_463, %iota3A : vector<16xi32>
    %broadcast_in_dim3A_465 = arith.constant 0 : i32
    %broadcast_in_dim3A_466 = vector.broadcast %broadcast_in_dim3A_465 : i32 to vector<16xi32>
    %shift_right_arithmetic3A_467 = arith.constant 3 : i32
    %shift_right_arithmetic3A_468 = vector.broadcast %shift_right_arithmetic3A_467 : i32 to vector<16xi32>
    %shift_right_arithmetic3A_469 = arith.shrsi %add3A_464, %shift_right_arithmetic3A_468 : vector<16xi32>
    %and3A_470 = arith.constant 7 : i32
    %and3A_471 = vector.broadcast %and3A_470 : i32 to vector<16xi32>
    %and3A_472 = arith.andi %add3A_464, %and3A_471 : vector<16xi32>
    %and3A_473 = arith.constant 127 : i32
    %and3A_474 = vector.broadcast %and3A_473 : i32 to vector<16xi32>
    %and3A_475 = arith.andi %gather3A, %and3A_474 : vector<16xi32>
    %gather3A_476 = tpu.vector_load_idx %arg6[%broadcast_in_dim3A_466, %shift_right_arithmetic3A_469, %and3A_472, %and3A_475] : memref<8x8x8x128xf32, #tpu.memory_space<vmem>>[vector<16xi32>, vector<16xi32>, vector<16xi32>, vector<16xi32>], vector<16xf32>,
    %swap3A_477 = arith.constant 0 : i32
    %swap3A_478 = arith.index_cast %swap3A_477 : i32 to index
    %swap3A_479 = arith.constant 48 : index
    %swap3A_480 = tpu.vector_load %arg7[%swap3A_478, %swap3A_479] {strides = array<i32>} : memref<8x64xf32, #tpu.memory_space<vmem>>, vector<16xf32>,
    tpu.vector_store %arg7[%swap3A_478, %swap3A_479], %gather3A_476 {strides = array<i32>} : memref<8x64xf32, #tpu.memory_space<vmem>>, vector<16xf32>,
    %dma_start3A_481 = arith.constant 0 : i32
    %dma_start3A_482 = arith.constant 0 : i32
    %dma_start3A_483 = tpu.memref_slice %arg7[%dma_start3A_481, %dma_start3A_482] : memref<8x64xf32, #tpu.memory_space<vmem>> -> memref<1x64xf32, #tpu.memory_space<vmem>>
    %dma_start3A_484 = tpu.memref_squeeze %dma_start3A_483 : memref<1x64xf32, #tpu.memory_space<vmem>> -> memref<64xf32, #tpu.memory_space<vmem>>
    %dma_start3A_485 = arith.constant 0 : i32
    %dma_start3A_486 = tpu.memref_slice %arg4[%add3A_385, %select_n3A, %dma_start3A_485] : memref<16x8x64xf32, #tpu.memory_space<hbm>> -> memref<1x1x64xf32, #tpu.memory_space<hbm>>
    %dma_start3A_487 = tpu.memref_squeeze %dma_start3A_486 : memref<1x1x64xf32, #tpu.memory_space<hbm>> -> memref<64xf32, #tpu.memory_space<hbm>>
    %dma_start3A_488 = arith.constant 0 : i32
    %dma_start3A_489 = tpu.memref_slice %arg4[%add3A_385, %select_n3A, %dma_start3A_488] : memref<16x8x64xf32, #tpu.memory_space<hbm>> -> memref<1x1x64xf32, #tpu.memory_space<hbm>>
    %dma_start3A_490 = tpu.memref_squeeze %dma_start3A_489 : memref<1x1x64xf32, #tpu.memory_space<hbm>> -> memref<64xf32, #tpu.memory_space<hbm>>
    %dma_start3A_491 = arith.constant 0 : i32
    %dma_start3A_492 = tpu.memref_slice %arg7[%dma_start3A_481, %dma_start3A_491] : memref<8x64xf32, #tpu.memory_space<vmem>> -> memref<1x64xf32, #tpu.memory_space<vmem>>
    %dma_start3A_493 = tpu.memref_squeeze %dma_start3A_492 : memref<1x64xf32, #tpu.memory_space<vmem>> -> memref<64xf32, #tpu.memory_space<vmem>>
    tpu.enqueue_dma source(%dma_start3A_493 : memref<64xf32, #tpu.memory_space<vmem>>) target(%dma_start3A_490 : memref<64xf32, #tpu.memory_space<hbm>>) target_semaphore(%arg9 : memref<!tpu.dma_semaphore, #tpu.memory_space<semaphore_mem>>)
    %jit3A_494 = arith.constant 16 : i32
    %eq3A_495 = arith.constant 0 : i32
    %eq3A_496 = arith.cmpi eq, %jit3A_494, %eq3A_495 : i32
    %jit3A_497 = arith.constant 1 : i32
    %select_n3A_498 = arith.select %eq3A_496, %jit3A_497, %jit3A_494 : i32
    %rem3A_499 = arith.remsi %mul3A_0, %select_n3A_498 : i32
    %ne3A_500 = arith.constant 0 : i32
    %ne3A_501 = arith.cmpi ne, %rem3A_499, %ne3A_500 : i32
    %lt3A_502 = arith.constant 0 : i32
    %lt3A_503 = arith.cmpi slt, %rem3A_499, %lt3A_502 : i32
    %lt3A_504 = arith.constant 0 : i32
    %lt3A_505 = arith.cmpi slt, %select_n3A_498, %lt3A_504 : i32
    %ne3A_506 = arith.xori %lt3A_503, %lt3A_505 : i1
    %and3A_507 = arith.andi %ne3A_506, %ne3A_501 : i1
    %add3A_508 = arith.addi %rem3A_499, %select_n3A_498 : i32
    %select_n3A_509 = arith.select %and3A_507, %add3A_508, %rem3A_499 : i32
    %add3A_510 = arith.constant 1 : i32
    %add3A_511 = arith.addi %select_n3A_509, %add3A_510 : i32
    %dma_wait3A_512 = arith.constant 1 : i32
    %dma_wait3A_513 = arith.constant 0 : i32
    %dma_wait3A_514 = arith.constant 0 : i32
    %dma_wait3A_515 = arith.constant 0 : i32
    %dma_wait3A_516 = tpu.memref_slice %arg6[%dma_wait3A_512, %dma_wait3A_513, %dma_wait3A_514, %dma_wait3A_515] : memref<8x8x8x128xf32, #tpu.memory_space<vmem>> -> memref<1x8x8x128xf32, #tpu.memory_space<vmem>>
    %dma_wait3A_517 = tpu.memref_squeeze %dma_wait3A_516 : memref<1x8x8x128xf32, #tpu.memory_space<vmem>> -> memref<8x8x128xf32, #tpu.memory_space<vmem>>
    %dma_wait3A_518 = arith.constant 0 : i32
    %dma_wait3A_519 = arith.constant 0 : i32
    %dma_wait3A_520 = arith.constant 0 : i32
    %dma_wait3A_521 = tpu.memref_slice %arg2[%add3A_70, %dma_wait3A_518, %shift_right_arithmetic3A_76, %dma_wait3A_519, %dma_wait3A_520] : memref<16x8x256x8x128xf32, #tpu.memory_space<hbm>> -> memref<1x8x1x8x128xf32, #tpu.memory_space<hbm>>
    %dma_wait3A_522 = tpu.memref_squeeze %dma_wait3A_521 : memref<1x8x1x8x128xf32, #tpu.memory_space<hbm>> -> memref<8x8x128xf32, #tpu.memory_space<hbm>>
    %dma_wait3A_523 = arith.constant 0 : i32
    %dma_wait3A_524 = arith.constant 0 : i32
    %dma_wait3A_525 = arith.constant 0 : i32
    %dma_wait3A_526 = tpu.memref_slice %arg6[%dma_wait3A_512, %dma_wait3A_523, %dma_wait3A_524, %dma_wait3A_525] : memref<8x8x8x128xf32, #tpu.memory_space<vmem>> -> memref<1x8x8x128xf32, #tpu.memory_space<vmem>>
    %dma_wait3A_527 = tpu.memref_squeeze %dma_wait3A_526 : memref<1x8x8x128xf32, #tpu.memory_space<vmem>> -> memref<8x8x128xf32, #tpu.memory_space<vmem>>
    %dma_wait3A_528 = arith.constant 0 : i32
    %dma_wait3A_529 = arith.constant 0 : i32
    %dma_wait3A_530 = arith.constant 0 : i32
    %dma_wait3A_531 = tpu.memref_slice %arg2[%add3A_70, %dma_wait3A_528, %shift_right_arithmetic3A_76, %dma_wait3A_529, %dma_wait3A_530] : memref<16x8x256x8x128xf32, #tpu.memory_space<hbm>> -> memref<1x8x1x8x128xf32, #tpu.memory_space<hbm>>
    %dma_wait3A_532 = tpu.memref_squeeze %dma_wait3A_531 : memref<1x8x1x8x128xf32, #tpu.memory_space<hbm>> -> memref<8x8x128xf32, #tpu.memory_space<hbm>>
    tpu.wait_dma2 semaphore(%arg8 : memref<!tpu.dma_semaphore, #tpu.memory_space<semaphore_mem>>) src(%dma_wait3A_532 : memref<8x8x128xf32, #tpu.memory_space<hbm>>) dst(%dma_wait3A_527 : memref<8x8x128xf32, #tpu.memory_space<vmem>>)
    %add3A_533 = arith.constant 0 : i32
    %add3A_534 = vector.broadcast %add3A_533 : i32 to vector<16xi32>
    %add3A_535 = arith.addi %add3A_534, %iota3A : vector<16xi32>
    %broadcast_in_dim3A_536 = arith.constant 1 : i32
    %broadcast_in_dim3A_537 = vector.broadcast %broadcast_in_dim3A_536 : i32 to vector<16xi32>
    %shift_right_arithmetic3A_538 = arith.constant 3 : i32
    %shift_right_arithmetic3A_539 = vector.broadcast %shift_right_arithmetic3A_538 : i32 to vector<16xi32>
    %shift_right_arithmetic3A_540 = arith.shrsi %add3A_535, %shift_right_arithmetic3A_539 : vector<16xi32>
    %and3A_541 = arith.constant 7 : i32
    %and3A_542 = vector.broadcast %and3A_541 : i32 to vector<16xi32>
    %and3A_543 = arith.andi %add3A_535, %and3A_542 : vector<16xi32>
    %and3A_544 = arith.constant 127 : i32
    %and3A_545 = vector.broadcast %and3A_544 : i32 to vector<16xi32>
    %and3A_546 = arith.andi %gather3A_72, %and3A_545 : vector<16xi32>
    %gather3A_547 = tpu.vector_load_idx %arg6[%broadcast_in_dim3A_537, %shift_right_arithmetic3A_540, %and3A_543, %and3A_546] : memref<8x8x8x128xf32, #tpu.memory_space<vmem>>[vector<16xi32>, vector<16xi32>, vector<16xi32>, vector<16xi32>], vector<16xf32>,
    %swap3A_548 = arith.constant 1 : i32
    %swap3A_549 = arith.index_cast %swap3A_548 : i32 to index
    %swap3A_550 = arith.constant 0 : index
    %swap3A_551 = tpu.vector_load %arg7[%swap3A_549, %swap3A_550] {strides = array<i32>} : memref<8x64xf32, #tpu.memory_space<vmem>>, vector<16xf32>,
    tpu.vector_store %arg7[%swap3A_549, %swap3A_550], %gather3A_547 {strides = array<i32>} : memref<8x64xf32, #tpu.memory_space<vmem>>, vector<16xf32>,
    %add3A_552 = arith.constant 16 : i32
    %add3A_553 = vector.broadcast %add3A_552 : i32 to vector<16xi32>
    %add3A_554 = arith.addi %add3A_553, %iota3A : vector<16xi32>
    %broadcast_in_dim3A_555 = arith.constant 1 : i32
    %broadcast_in_dim3A_556 = vector.broadcast %broadcast_in_dim3A_555 : i32 to vector<16xi32>
    %shift_right_arithmetic3A_557 = arith.constant 3 : i32
    %shift_right_arithmetic3A_558 = vector.broadcast %shift_right_arithmetic3A_557 : i32 to vector<16xi32>
    %shift_right_arithmetic3A_559 = arith.shrsi %add3A_554, %shift_right_arithmetic3A_558 : vector<16xi32>
    %and3A_560 = arith.constant 7 : i32
    %and3A_561 = vector.broadcast %and3A_560 : i32 to vector<16xi32>
    %and3A_562 = arith.andi %add3A_554, %and3A_561 : vector<16xi32>
    %and3A_563 = arith.constant 127 : i32
    %and3A_564 = vector.broadcast %and3A_563 : i32 to vector<16xi32>
    %and3A_565 = arith.andi %gather3A_72, %and3A_564 : vector<16xi32>
    %gather3A_566 = tpu.vector_load_idx %arg6[%broadcast_in_dim3A_556, %shift_right_arithmetic3A_559, %and3A_562, %and3A_565] : memref<8x8x8x128xf32, #tpu.memory_space<vmem>>[vector<16xi32>, vector<16xi32>, vector<16xi32>, vector<16xi32>], vector<16xf32>,
    %swap3A_567 = arith.constant 1 : i32
    %swap3A_568 = arith.index_cast %swap3A_567 : i32 to index
    %swap3A_569 = arith.constant 16 : index
    %swap3A_570 = tpu.vector_load %arg7[%swap3A_568, %swap3A_569] {strides = array<i32>} : memref<8x64xf32, #tpu.memory_space<vmem>>, vector<16xf32>,
    tpu.vector_store %arg7[%swap3A_568, %swap3A_569], %gather3A_566 {strides = array<i32>} : memref<8x64xf32, #tpu.memory_space<vmem>>, vector<16xf32>,
    %add3A_571 = arith.constant 32 : i32
    %add3A_572 = vector.broadcast %add3A_571 : i32 to vector<16xi32>
    %add3A_573 = arith.addi %add3A_572, %iota3A : vector<16xi32>
    %broadcast_in_dim3A_574 = arith.constant 1 : i32
    %broadcast_in_dim3A_575 = vector.broadcast %broadcast_in_dim3A_574 : i32 to vector<16xi32>
    %shift_right_arithmetic3A_576 = arith.constant 3 : i32
    %shift_right_arithmetic3A_577 = vector.broadcast %shift_right_arithmetic3A_576 : i32 to vector<16xi32>
    %shift_right_arithmetic3A_578 = arith.shrsi %add3A_573, %shift_right_arithmetic3A_577 : vector<16xi32>
    %and3A_579 = arith.constant 7 : i32
    %and3A_580 = vector.broadcast %and3A_579 : i32 to vector<16xi32>
    %and3A_581 = arith.andi %add3A_573, %and3A_580 : vector<16xi32>
    %and3A_582 = arith.constant 127 : i32
    %and3A_583 = vector.broadcast %and3A_582 : i32 to vector<16xi32>
    %and3A_584 = arith.andi %gather3A_72, %and3A_583 : vector<16xi32>
    %gather3A_585 = tpu.vector_load_idx %arg6[%broadcast_in_dim3A_575, %shift_right_arithmetic3A_578, %and3A_581, %and3A_584] : memref<8x8x8x128xf32, #tpu.memory_space<vmem>>[vector<16xi32>, vector<16xi32>, vector<16xi32>, vector<16xi32>], vector<16xf32>,
    %swap3A_586 = arith.constant 1 : i32
    %swap3A_587 = arith.index_cast %swap3A_586 : i32 to index
    %swap3A_588 = arith.constant 32 : index
    %swap3A_589 = tpu.vector_load %arg7[%swap3A_587, %swap3A_588] {strides = array<i32>} : memref<8x64xf32, #tpu.memory_space<vmem>>, vector<16xf32>,
    tpu.vector_store %arg7[%swap3A_587, %swap3A_588], %gather3A_585 {strides = array<i32>} : memref<8x64xf32, #tpu.memory_space<vmem>>, vector<16xf32>,
    %add3A_590 = arith.constant 48 : i32
    %add3A_591 = vector.broadcast %add3A_590 : i32 to vector<16xi32>
    %add3A_592 = arith.addi %add3A_591, %iota3A : vector<16xi32>
    %broadcast_in_dim3A_593 = arith.constant 1 : i32
    %broadcast_in_dim3A_594 = vector.broadcast %broadcast_in_dim3A_593 : i32 to vector<16xi32>
    %shift_right_arithmetic3A_595 = arith.constant 3 : i32
    %shift_right_arithmetic3A_596 = vector.broadcast %shift_right_arithmetic3A_595 : i32 to vector<16xi32>
    %shift_right_arithmetic3A_597 = arith.shrsi %add3A_592, %shift_right_arithmetic3A_596 : vector<16xi32>
    %and3A_598 = arith.constant 7 : i32
    %and3A_599 = vector.broadcast %and3A_598 : i32 to vector<16xi32>
    %and3A_600 = arith.andi %add3A_592, %and3A_599 : vector<16xi32>
    %and3A_601 = arith.constant 127 : i32
    %and3A_602 = vector.broadcast %and3A_601 : i32 to vector<16xi32>
    %and3A_603 = arith.andi %gather3A_72, %and3A_602 : vector<16xi32>
    %gather3A_604 = tpu.vector_load_idx %arg6[%broadcast_in_dim3A_594, %shift_right_arithmetic3A_597, %and3A_600, %and3A_603] : memref<8x8x8x128xf32, #tpu.memory_space<vmem>>[vector<16xi32>, vector<16xi32>, vector<16xi32>, vector<16xi32>], vector<16xf32>,
    %swap3A_605 = arith.constant 1 : i32
    %swap3A_606 = arith.index_cast %swap3A_605 : i32 to index
    %swap3A_607 = arith.constant 48 : index
    %swap3A_608 = tpu.vector_load %arg7[%swap3A_606, %swap3A_607] {strides = array<i32>} : memref<8x64xf32, #tpu.memory_space<vmem>>, vector<16xf32>,
    tpu.vector_store %arg7[%swap3A_606, %swap3A_607], %gather3A_604 {strides = array<i32>} : memref<8x64xf32, #tpu.memory_space<vmem>>, vector<16xf32>,
    %dma_start3A_609 = arith.constant 1 : i32
    %dma_start3A_610 = arith.constant 0 : i32
    %dma_start3A_611 = tpu.memref_slice %arg7[%dma_start3A_609, %dma_start3A_610] : memref<8x64xf32, #tpu.memory_space<vmem>> -> memref<1x64xf32, #tpu.memory_space<vmem>>
    %dma_start3A_612 = tpu.memref_squeeze %dma_start3A_611 : memref<1x64xf32, #tpu.memory_space<vmem>> -> memref<64xf32, #tpu.memory_space<vmem>>
    %dma_start3A_613 = arith.constant 0 : i32
    %dma_start3A_614 = tpu.memref_slice %arg4[%add3A_511, %select_n3A, %dma_start3A_613] : memref<16x8x64xf32, #tpu.memory_space<hbm>> -> memref<1x1x64xf32, #tpu.memory_space<hbm>>
    %dma_start3A_615 = tpu.memref_squeeze %dma_start3A_614 : memref<1x1x64xf32, #tpu.memory_space<hbm>> -> memref<64xf32, #tpu.memory_space<hbm>>
    %dma_start3A_616 = arith.constant 0 : i32
    %dma_start3A_617 = tpu.memref_slice %arg4[%add3A_511, %select_n3A, %dma_start3A_616] : memref<16x8x64xf32, #tpu.memory_space<hbm>> -> memref<1x1x64xf32, #tpu.memory_space<hbm>>
    %dma_start3A_618 = tpu.memref_squeeze %dma_start3A_617 : memref<1x1x64xf32, #tpu.memory_space<hbm>> -> memref<64xf32, #tpu.memory_space<hbm>>
    %dma_start3A_619 = arith.constant 0 : i32
    %dma_start3A_620 = tpu.memref_slice %arg7[%dma_start3A_609, %dma_start3A_619] : memref<8x64xf32, #tpu.memory_space<vmem>> -> memref<1x64xf32, #tpu.memory_space<vmem>>
    %dma_start3A_621 = tpu.memref_squeeze %dma_start3A_620 : memref<1x64xf32, #tpu.memory_space<vmem>> -> memref<64xf32, #tpu.memory_space<vmem>>
    tpu.enqueue_dma source(%dma_start3A_621 : memref<64xf32, #tpu.memory_space<vmem>>) target(%dma_start3A_618 : memref<64xf32, #tpu.memory_space<hbm>>) target_semaphore(%arg9 : memref<!tpu.dma_semaphore, #tpu.memory_space<semaphore_mem>>)
    %jit3A_622 = arith.constant 16 : i32
    %eq3A_623 = arith.constant 0 : i32
    %eq3A_624 = arith.cmpi eq, %jit3A_622, %eq3A_623 : i32
    %jit3A_625 = arith.constant 1 : i32
    %select_n3A_626 = arith.select %eq3A_624, %jit3A_625, %jit3A_622 : i32
    %rem3A_627 = arith.remsi %mul3A_0, %select_n3A_626 : i32
    %ne3A_628 = arith.constant 0 : i32
    %ne3A_629 = arith.cmpi ne, %rem3A_627, %ne3A_628 : i32
    %lt3A_630 = arith.constant 0 : i32
    %lt3A_631 = arith.cmpi slt, %rem3A_627, %lt3A_630 : i32
    %lt3A_632 = arith.constant 0 : i32
    %lt3A_633 = arith.cmpi slt, %select_n3A_626, %lt3A_632 : i32
    %ne3A_634 = arith.xori %lt3A_631, %lt3A_633 : i1
    %and3A_635 = arith.andi %ne3A_634, %ne3A_629 : i1
    %add3A_636 = arith.addi %rem3A_627, %select_n3A_626 : i32
    %select_n3A_637 = arith.select %and3A_635, %add3A_636, %rem3A_627 : i32
    %add3A_638 = arith.constant 2 : i32
    %add3A_639 = arith.addi %select_n3A_637, %add3A_638 : i32
    %dma_wait3A_640 = arith.constant 2 : i32
    %dma_wait3A_641 = arith.constant 0 : i32
    %dma_wait3A_642 = arith.constant 0 : i32
    %dma_wait3A_643 = arith.constant 0 : i32
    %dma_wait3A_644 = tpu.memref_slice %arg6[%dma_wait3A_640, %dma_wait3A_641, %dma_wait3A_642, %dma_wait3A_643] : memref<8x8x8x128xf32, #tpu.memory_space<vmem>> -> memref<1x8x8x128xf32, #tpu.memory_space<vmem>>
    %dma_wait3A_645 = tpu.memref_squeeze %dma_wait3A_644 : memref<1x8x8x128xf32, #tpu.memory_space<vmem>> -> memref<8x8x128xf32, #tpu.memory_space<vmem>>
    %dma_wait3A_646 = arith.constant 0 : i32
    %dma_wait3A_647 = arith.constant 0 : i32
    %dma_wait3A_648 = arith.constant 0 : i32
    %dma_wait3A_649 = tpu.memref_slice %arg2[%add3A_115, %dma_wait3A_646, %shift_right_arithmetic3A_121, %dma_wait3A_647, %dma_wait3A_648] : memref<16x8x256x8x128xf32, #tpu.memory_space<hbm>> -> memref<1x8x1x8x128xf32, #tpu.memory_space<hbm>>
    %dma_wait3A_650 = tpu.memref_squeeze %dma_wait3A_649 : memref<1x8x1x8x128xf32, #tpu.memory_space<hbm>> -> memref<8x8x128xf32, #tpu.memory_space<hbm>>
    %dma_wait3A_651 = arith.constant 0 : i32
    %dma_wait3A_652 = arith.constant 0 : i32
    %dma_wait3A_653 = arith.constant 0 : i32
    %dma_wait3A_654 = tpu.memref_slice %arg6[%dma_wait3A_640, %dma_wait3A_651, %dma_wait3A_652, %dma_wait3A_653] : memref<8x8x8x128xf32, #tpu.memory_space<vmem>> -> memref<1x8x8x128xf32, #tpu.memory_space<vmem>>
    %dma_wait3A_655 = tpu.memref_squeeze %dma_wait3A_654 : memref<1x8x8x128xf32, #tpu.memory_space<vmem>> -> memref<8x8x128xf32, #tpu.memory_space<vmem>>
    %dma_wait3A_656 = arith.constant 0 : i32
    %dma_wait3A_657 = arith.constant 0 : i32
    %dma_wait3A_658 = arith.constant 0 : i32
    %dma_wait3A_659 = tpu.memref_slice %arg2[%add3A_115, %dma_wait3A_656, %shift_right_arithmetic3A_121, %dma_wait3A_657, %dma_wait3A_658] : memref<16x8x256x8x128xf32, #tpu.memory_space<hbm>> -> memref<1x8x1x8x128xf32, #tpu.memory_space<hbm>>
    %dma_wait3A_660 = tpu.memref_squeeze %dma_wait3A_659 : memref<1x8x1x8x128xf32, #tpu.memory_space<hbm>> -> memref<8x8x128xf32, #tpu.memory_space<hbm>>
    tpu.wait_dma2 semaphore(%arg8 : memref<!tpu.dma_semaphore, #tpu.memory_space<semaphore_mem>>) src(%dma_wait3A_660 : memref<8x8x128xf32, #tpu.memory_space<hbm>>) dst(%dma_wait3A_655 : memref<8x8x128xf32, #tpu.memory_space<vmem>>)
    %add3A_661 = arith.constant 0 : i32
    %add3A_662 = vector.broadcast %add3A_661 : i32 to vector<16xi32>
    %add3A_663 = arith.addi %add3A_662, %iota3A : vector<16xi32>
    %broadcast_in_dim3A_664 = arith.constant 2 : i32
    %broadcast_in_dim3A_665 = vector.broadcast %broadcast_in_dim3A_664 : i32 to vector<16xi32>
    %shift_right_arithmetic3A_666 = arith.constant 3 : i32
    %shift_right_arithmetic3A_667 = vector.broadcast %shift_right_arithmetic3A_666 : i32 to vector<16xi32>
    %shift_right_arithmetic3A_668 = arith.shrsi %add3A_663, %shift_right_arithmetic3A_667 : vector<16xi32>
    %and3A_669 = arith.constant 7 : i32
    %and3A_670 = vector.broadcast %and3A_669 : i32 to vector<16xi32>
    %and3A_671 = arith.andi %add3A_663, %and3A_670 : vector<16xi32>
    %and3A_672 = arith.constant 127 : i32
    %and3A_673 = vector.broadcast %and3A_672 : i32 to vector<16xi32>
    %and3A_674 = arith.andi %gather3A_117, %and3A_673 : vector<16xi32>
    %gather3A_675 = tpu.vector_load_idx %arg6[%broadcast_in_dim3A_665, %shift_right_arithmetic3A_668, %and3A_671, %and3A_674] : memref<8x8x8x128xf32, #tpu.memory_space<vmem>>[vector<16xi32>, vector<16xi32>, vector<16xi32>, vector<16xi32>], vector<16xf32>,
    %swap3A_676 = arith.constant 2 : i32
    %swap3A_677 = arith.index_cast %swap3A_676 : i32 to index
    %swap3A_678 = arith.constant 0 : index
    %swap3A_679 = tpu.vector_load %arg7[%swap3A_677, %swap3A_678] {strides = array<i32>} : memref<8x64xf32, #tpu.memory_space<vmem>>, vector<16xf32>,
    tpu.vector_store %arg7[%swap3A_677, %swap3A_678], %gather3A_675 {strides = array<i32>} : memref<8x64xf32, #tpu.memory_space<vmem>>, vector<16xf32>,
    %add3A_680 = arith.constant 16 : i32
    %add3A_681 = vector.broadcast %add3A_680 : i32 to vector<16xi32>
    %add3A_682 = arith.addi %add3A_681, %iota3A : vector<16xi32>
    %broadcast_in_dim3A_683 = arith.constant 2 : i32
    %broadcast_in_dim3A_684 = vector.broadcast %broadcast_in_dim3A_683 : i32 to vector<16xi32>
    %shift_right_arithmetic3A_685 = arith.constant 3 : i32
    %shift_right_arithmetic3A_686 = vector.broadcast %shift_right_arithmetic3A_685 : i32 to vector<16xi32>
    %shift_right_arithmetic3A_687 = arith.shrsi %add3A_682, %shift_right_arithmetic3A_686 : vector<16xi32>
    %and3A_688 = arith.constant 7 : i32
    %and3A_689 = vector.broadcast %and3A_688 : i32 to vector<16xi32>
    %and3A_690 = arith.andi %add3A_682, %and3A_689 : vector<16xi32>
    %and3A_691 = arith.constant 127 : i32
    %and3A_692 = vector.broadcast %and3A_691 : i32 to vector<16xi32>
    %and3A_693 = arith.andi %gather3A_117, %and3A_692 : vector<16xi32>
    %gather3A_694 = tpu.vector_load_idx %arg6[%broadcast_in_dim3A_684, %shift_right_arithmetic3A_687, %and3A_690, %and3A_693] : memref<8x8x8x128xf32, #tpu.memory_space<vmem>>[vector<16xi32>, vector<16xi32>, vector<16xi32>, vector<16xi32>], vector<16xf32>,
    %swap3A_695 = arith.constant 2 : i32
    %swap3A_696 = arith.index_cast %swap3A_695 : i32 to index
    %swap3A_697 = arith.constant 16 : index
    %swap3A_698 = tpu.vector_load %arg7[%swap3A_696, %swap3A_697] {strides = array<i32>} : memref<8x64xf32, #tpu.memory_space<vmem>>, vector<16xf32>,
    tpu.vector_store %arg7[%swap3A_696, %swap3A_697], %gather3A_694 {strides = array<i32>} : memref<8x64xf32, #tpu.memory_space<vmem>>, vector<16xf32>,
    %add3A_699 = arith.constant 32 : i32
    %add3A_700 = vector.broadcast %add3A_699 : i32 to vector<16xi32>
    %add3A_701 = arith.addi %add3A_700, %iota3A : vector<16xi32>
    %broadcast_in_dim3A_702 = arith.constant 2 : i32
    %broadcast_in_dim3A_703 = vector.broadcast %broadcast_in_dim3A_702 : i32 to vector<16xi32>
    %shift_right_arithmetic3A_704 = arith.constant 3 : i32
    %shift_right_arithmetic3A_705 = vector.broadcast %shift_right_arithmetic3A_704 : i32 to vector<16xi32>
    %shift_right_arithmetic3A_706 = arith.shrsi %add3A_701, %shift_right_arithmetic3A_705 : vector<16xi32>
    %and3A_707 = arith.constant 7 : i32
    %and3A_708 = vector.broadcast %and3A_707 : i32 to vector<16xi32>
    %and3A_709 = arith.andi %add3A_701, %and3A_708 : vector<16xi32>
    %and3A_710 = arith.constant 127 : i32
    %and3A_711 = vector.broadcast %and3A_710 : i32 to vector<16xi32>
    %and3A_712 = arith.andi %gather3A_117, %and3A_711 : vector<16xi32>
    %gather3A_713 = tpu.vector_load_idx %arg6[%broadcast_in_dim3A_703, %shift_right_arithmetic3A_706, %and3A_709, %and3A_712] : memref<8x8x8x128xf32, #tpu.memory_space<vmem>>[vector<16xi32>, vector<16xi32>, vector<16xi32>, vector<16xi32>], vector<16xf32>,
    %swap3A_714 = arith.constant 2 : i32
    %swap3A_715 = arith.index_cast %swap3A_714 : i32 to index
    %swap3A_716 = arith.constant 32 : index
    %swap3A_717 = tpu.vector_load %arg7[%swap3A_715, %swap3A_716] {strides = array<i32>} : memref<8x64xf32, #tpu.memory_space<vmem>>, vector<16xf32>,
    tpu.vector_store %arg7[%swap3A_715, %swap3A_716], %gather3A_713 {strides = array<i32>} : memref<8x64xf32, #tpu.memory_space<vmem>>, vector<16xf32>,
    %add3A_718 = arith.constant 48 : i32
    %add3A_719 = vector.broadcast %add3A_718 : i32 to vector<16xi32>
    %add3A_720 = arith.addi %add3A_719, %iota3A : vector<16xi32>
    %broadcast_in_dim3A_721 = arith.constant 2 : i32
    %broadcast_in_dim3A_722 = vector.broadcast %broadcast_in_dim3A_721 : i32 to vector<16xi32>
    %shift_right_arithmetic3A_723 = arith.constant 3 : i32
    %shift_right_arithmetic3A_724 = vector.broadcast %shift_right_arithmetic3A_723 : i32 to vector<16xi32>
    %shift_right_arithmetic3A_725 = arith.shrsi %add3A_720, %shift_right_arithmetic3A_724 : vector<16xi32>
    %and3A_726 = arith.constant 7 : i32
    %and3A_727 = vector.broadcast %and3A_726 : i32 to vector<16xi32>
    %and3A_728 = arith.andi %add3A_720, %and3A_727 : vector<16xi32>
    %and3A_729 = arith.constant 127 : i32
    %and3A_730 = vector.broadcast %and3A_729 : i32 to vector<16xi32>
    %and3A_731 = arith.andi %gather3A_117, %and3A_730 : vector<16xi32>
    %gather3A_732 = tpu.vector_load_idx %arg6[%broadcast_in_dim3A_722, %shift_right_arithmetic3A_725, %and3A_728, %and3A_731] : memref<8x8x8x128xf32, #tpu.memory_space<vmem>>[vector<16xi32>, vector<16xi32>, vector<16xi32>, vector<16xi32>], vector<16xf32>,
    %swap3A_733 = arith.constant 2 : i32
    %swap3A_734 = arith.index_cast %swap3A_733 : i32 to index
    %swap3A_735 = arith.constant 48 : index
    %swap3A_736 = tpu.vector_load %arg7[%swap3A_734, %swap3A_735] {strides = array<i32>} : memref<8x64xf32, #tpu.memory_space<vmem>>, vector<16xf32>,
    tpu.vector_store %arg7[%swap3A_734, %swap3A_735], %gather3A_732 {strides = array<i32>} : memref<8x64xf32, #tpu.memory_space<vmem>>, vector<16xf32>,
    %dma_start3A_737 = arith.constant 2 : i32
    %dma_start3A_738 = arith.constant 0 : i32
    %dma_start3A_739 = tpu.memref_slice %arg7[%dma_start3A_737, %dma_start3A_738] : memref<8x64xf32, #tpu.memory_space<vmem>> -> memref<1x64xf32, #tpu.memory_space<vmem>>
    %dma_start3A_740 = tpu.memref_squeeze %dma_start3A_739 : memref<1x64xf32, #tpu.memory_space<vmem>> -> memref<64xf32, #tpu.memory_space<vmem>>
    %dma_start3A_741 = arith.constant 0 : i32
    %dma_start3A_742 = tpu.memref_slice %arg4[%add3A_639, %select_n3A, %dma_start3A_741] : memref<16x8x64xf32, #tpu.memory_space<hbm>> -> memref<1x1x64xf32, #tpu.memory_space<hbm>>
    %dma_start3A_743 = tpu.memref_squeeze %dma_start3A_742 : memref<1x1x64xf32, #tpu.memory_space<hbm>> -> memref<64xf32, #tpu.memory_space<hbm>>
    %dma_start3A_744 = arith.constant 0 : i32
    %dma_start3A_745 = tpu.memref_slice %arg4[%add3A_639, %select_n3A, %dma_start3A_744] : memref<16x8x64xf32, #tpu.memory_space<hbm>> -> memref<1x1x64xf32, #tpu.memory_space<hbm>>
    %dma_start3A_746 = tpu.memref_squeeze %dma_start3A_745 : memref<1x1x64xf32, #tpu.memory_space<hbm>> -> memref<64xf32, #tpu.memory_space<hbm>>
    %dma_start3A_747 = arith.constant 0 : i32
    %dma_start3A_748 = tpu.memref_slice %arg7[%dma_start3A_737, %dma_start3A_747] : memref<8x64xf32, #tpu.memory_space<vmem>> -> memref<1x64xf32, #tpu.memory_space<vmem>>
    %dma_start3A_749 = tpu.memref_squeeze %dma_start3A_748 : memref<1x64xf32, #tpu.memory_space<vmem>> -> memref<64xf32, #tpu.memory_space<vmem>>
    tpu.enqueue_dma source(%dma_start3A_749 : memref<64xf32, #tpu.memory_space<vmem>>) target(%dma_start3A_746 : memref<64xf32, #tpu.memory_space<hbm>>) target_semaphore(%arg9 : memref<!tpu.dma_semaphore, #tpu.memory_space<semaphore_mem>>)
    %jit3A_750 = arith.constant 16 : i32
    %eq3A_751 = arith.constant 0 : i32
    %eq3A_752 = arith.cmpi eq, %jit3A_750, %eq3A_751 : i32
    %jit3A_753 = arith.constant 1 : i32
    %select_n3A_754 = arith.select %eq3A_752, %jit3A_753, %jit3A_750 : i32
    %rem3A_755 = arith.remsi %mul3A_0, %select_n3A_754 : i32
    %ne3A_756 = arith.constant 0 : i32
    %ne3A_757 = arith.cmpi ne, %rem3A_755, %ne3A_756 : i32
    %lt3A_758 = arith.constant 0 : i32
    %lt3A_759 = arith.cmpi slt, %rem3A_755, %lt3A_758 : i32
    %lt3A_760 = arith.constant 0 : i32
    %lt3A_761 = arith.cmpi slt, %select_n3A_754, %lt3A_760 : i32
    %ne3A_762 = arith.xori %lt3A_759, %lt3A_761 : i1
    %and3A_763 = arith.andi %ne3A_762, %ne3A_757 : i1
    %add3A_764 = arith.addi %rem3A_755, %select_n3A_754 : i32
    %select_n3A_765 = arith.select %and3A_763, %add3A_764, %rem3A_755 : i32
    %add3A_766 = arith.constant 3 : i32
    %add3A_767 = arith.addi %select_n3A_765, %add3A_766 : i32
    %dma_wait3A_768 = arith.constant 3 : i32
    %dma_wait3A_769 = arith.constant 0 : i32
    %dma_wait3A_770 = arith.constant 0 : i32
    %dma_wait3A_771 = arith.constant 0 : i32
    %dma_wait3A_772 = tpu.memref_slice %arg6[%dma_wait3A_768, %dma_wait3A_769, %dma_wait3A_770, %dma_wait3A_771] : memref<8x8x8x128xf32, #tpu.memory_space<vmem>> -> memref<1x8x8x128xf32, #tpu.memory_space<vmem>>
    %dma_wait3A_773 = tpu.memref_squeeze %dma_wait3A_772 : memref<1x8x8x128xf32, #tpu.memory_space<vmem>> -> memref<8x8x128xf32, #tpu.memory_space<vmem>>
    %dma_wait3A_774 = arith.constant 0 : i32
    %dma_wait3A_775 = arith.constant 0 : i32
    %dma_wait3A_776 = arith.constant 0 : i32
    %dma_wait3A_777 = tpu.memref_slice %arg2[%add3A_160, %dma_wait3A_774, %shift_right_arithmetic3A_166, %dma_wait3A_775, %dma_wait3A_776] : memref<16x8x256x8x128xf32, #tpu.memory_space<hbm>> -> memref<1x8x1x8x128xf32, #tpu.memory_space<hbm>>
    %dma_wait3A_778 = tpu.memref_squeeze %dma_wait3A_777 : memref<1x8x1x8x128xf32, #tpu.memory_space<hbm>> -> memref<8x8x128xf32, #tpu.memory_space<hbm>>
    %dma_wait3A_779 = arith.constant 0 : i32
    %dma_wait3A_780 = arith.constant 0 : i32
    %dma_wait3A_781 = arith.constant 0 : i32
    %dma_wait3A_782 = tpu.memref_slice %arg6[%dma_wait3A_768, %dma_wait3A_779, %dma_wait3A_780, %dma_wait3A_781] : memref<8x8x8x128xf32, #tpu.memory_space<vmem>> -> memref<1x8x8x128xf32, #tpu.memory_space<vmem>>
    %dma_wait3A_783 = tpu.memref_squeeze %dma_wait3A_782 : memref<1x8x8x128xf32, #tpu.memory_space<vmem>> -> memref<8x8x128xf32, #tpu.memory_space<vmem>>
    %dma_wait3A_784 = arith.constant 0 : i32
    %dma_wait3A_785 = arith.constant 0 : i32
    %dma_wait3A_786 = arith.constant 0 : i32
    %dma_wait3A_787 = tpu.memref_slice %arg2[%add3A_160, %dma_wait3A_784, %shift_right_arithmetic3A_166, %dma_wait3A_785, %dma_wait3A_786] : memref<16x8x256x8x128xf32, #tpu.memory_space<hbm>> -> memref<1x8x1x8x128xf32, #tpu.memory_space<hbm>>
    %dma_wait3A_788 = tpu.memref_squeeze %dma_wait3A_787 : memref<1x8x1x8x128xf32, #tpu.memory_space<hbm>> -> memref<8x8x128xf32, #tpu.memory_space<hbm>>
    tpu.wait_dma2 semaphore(%arg8 : memref<!tpu.dma_semaphore, #tpu.memory_space<semaphore_mem>>) src(%dma_wait3A_788 : memref<8x8x128xf32, #tpu.memory_space<hbm>>) dst(%dma_wait3A_783 : memref<8x8x128xf32, #tpu.memory_space<vmem>>)
    %add3A_789 = arith.constant 0 : i32
    %add3A_790 = vector.broadcast %add3A_789 : i32 to vector<16xi32>
    %add3A_791 = arith.addi %add3A_790, %iota3A : vector<16xi32>
    %broadcast_in_dim3A_792 = arith.constant 3 : i32
    %broadcast_in_dim3A_793 = vector.broadcast %broadcast_in_dim3A_792 : i32 to vector<16xi32>
    %shift_right_arithmetic3A_794 = arith.constant 3 : i32
    %shift_right_arithmetic3A_795 = vector.broadcast %shift_right_arithmetic3A_794 : i32 to vector<16xi32>
    %shift_right_arithmetic3A_796 = arith.shrsi %add3A_791, %shift_right_arithmetic3A_795 : vector<16xi32>
    %and3A_797 = arith.constant 7 : i32
    %and3A_798 = vector.broadcast %and3A_797 : i32 to vector<16xi32>
    %and3A_799 = arith.andi %add3A_791, %and3A_798 : vector<16xi32>
    %and3A_800 = arith.constant 127 : i32
    %and3A_801 = vector.broadcast %and3A_800 : i32 to vector<16xi32>
    %and3A_802 = arith.andi %gather3A_162, %and3A_801 : vector<16xi32>
    %gather3A_803 = tpu.vector_load_idx %arg6[%broadcast_in_dim3A_793, %shift_right_arithmetic3A_796, %and3A_799, %and3A_802] : memref<8x8x8x128xf32, #tpu.memory_space<vmem>>[vector<16xi32>, vector<16xi32>, vector<16xi32>, vector<16xi32>], vector<16xf32>,
    %swap3A_804 = arith.constant 3 : i32
    %swap3A_805 = arith.index_cast %swap3A_804 : i32 to index
    %swap3A_806 = arith.constant 0 : index
    %swap3A_807 = tpu.vector_load %arg7[%swap3A_805, %swap3A_806] {strides = array<i32>} : memref<8x64xf32, #tpu.memory_space<vmem>>, vector<16xf32>,
    tpu.vector_store %arg7[%swap3A_805, %swap3A_806], %gather3A_803 {strides = array<i32>} : memref<8x64xf32, #tpu.memory_space<vmem>>, vector<16xf32>,
    %add3A_808 = arith.constant 16 : i32
    %add3A_809 = vector.broadcast %add3A_808 : i32 to vector<16xi32>
    %add3A_810 = arith.addi %add3A_809, %iota3A : vector<16xi32>
    %broadcast_in_dim3A_811 = arith.constant 3 : i32
    %broadcast_in_dim3A_812 = vector.broadcast %broadcast_in_dim3A_811 : i32 to vector<16xi32>
    %shift_right_arithmetic3A_813 = arith.constant 3 : i32
    %shift_right_arithmetic3A_814 = vector.broadcast %shift_right_arithmetic3A_813 : i32 to vector<16xi32>
    %shift_right_arithmetic3A_815 = arith.shrsi %add3A_810, %shift_right_arithmetic3A_814 : vector<16xi32>
    %and3A_816 = arith.constant 7 : i32
    %and3A_817 = vector.broadcast %and3A_816 : i32 to vector<16xi32>
    %and3A_818 = arith.andi %add3A_810, %and3A_817 : vector<16xi32>
    %and3A_819 = arith.constant 127 : i32
    %and3A_820 = vector.broadcast %and3A_819 : i32 to vector<16xi32>
    %and3A_821 = arith.andi %gather3A_162, %and3A_820 : vector<16xi32>
    %gather3A_822 = tpu.vector_load_idx %arg6[%broadcast_in_dim3A_812, %shift_right_arithmetic3A_815, %and3A_818, %and3A_821] : memref<8x8x8x128xf32, #tpu.memory_space<vmem>>[vector<16xi32>, vector<16xi32>, vector<16xi32>, vector<16xi32>], vector<16xf32>,
    %swap3A_823 = arith.constant 3 : i32
    %swap3A_824 = arith.index_cast %swap3A_823 : i32 to index
    %swap3A_825 = arith.constant 16 : index
    %swap3A_826 = tpu.vector_load %arg7[%swap3A_824, %swap3A_825] {strides = array<i32>} : memref<8x64xf32, #tpu.memory_space<vmem>>, vector<16xf32>,
    tpu.vector_store %arg7[%swap3A_824, %swap3A_825], %gather3A_822 {strides = array<i32>} : memref<8x64xf32, #tpu.memory_space<vmem>>, vector<16xf32>,
    %add3A_827 = arith.constant 32 : i32
    %add3A_828 = vector.broadcast %add3A_827 : i32 to vector<16xi32>
    %add3A_829 = arith.addi %add3A_828, %iota3A : vector<16xi32>
    %broadcast_in_dim3A_830 = arith.constant 3 : i32
    %broadcast_in_dim3A_831 = vector.broadcast %broadcast_in_dim3A_830 : i32 to vector<16xi32>
    %shift_right_arithmetic3A_832 = arith.constant 3 : i32
    %shift_right_arithmetic3A_833 = vector.broadcast %shift_right_arithmetic3A_832 : i32 to vector<16xi32>
    %shift_right_arithmetic3A_834 = arith.shrsi %add3A_829, %shift_right_arithmetic3A_833 : vector<16xi32>
    %and3A_835 = arith.constant 7 : i32
    %and3A_836 = vector.broadcast %and3A_835 : i32 to vector<16xi32>
    %and3A_837 = arith.andi %add3A_829, %and3A_836 : vector<16xi32>
    %and3A_838 = arith.constant 127 : i32
    %and3A_839 = vector.broadcast %and3A_838 : i32 to vector<16xi32>
    %and3A_840 = arith.andi %gather3A_162, %and3A_839 : vector<16xi32>
    %gather3A_841 = tpu.vector_load_idx %arg6[%broadcast_in_dim3A_831, %shift_right_arithmetic3A_834, %and3A_837, %and3A_840] : memref<8x8x8x128xf32, #tpu.memory_space<vmem>>[vector<16xi32>, vector<16xi32>, vector<16xi32>, vector<16xi32>], vector<16xf32>,
    %swap3A_842 = arith.constant 3 : i32
    %swap3A_843 = arith.index_cast %swap3A_842 : i32 to index
    %swap3A_844 = arith.constant 32 : index
    %swap3A_845 = tpu.vector_load %arg7[%swap3A_843, %swap3A_844] {strides = array<i32>} : memref<8x64xf32, #tpu.memory_space<vmem>>, vector<16xf32>,
    tpu.vector_store %arg7[%swap3A_843, %swap3A_844], %gather3A_841 {strides = array<i32>} : memref<8x64xf32, #tpu.memory_space<vmem>>, vector<16xf32>,
    %add3A_846 = arith.constant 48 : i32
    %add3A_847 = vector.broadcast %add3A_846 : i32 to vector<16xi32>
    %add3A_848 = arith.addi %add3A_847, %iota3A : vector<16xi32>
    %broadcast_in_dim3A_849 = arith.constant 3 : i32
    %broadcast_in_dim3A_850 = vector.broadcast %broadcast_in_dim3A_849 : i32 to vector<16xi32>
    %shift_right_arithmetic3A_851 = arith.constant 3 : i32
    %shift_right_arithmetic3A_852 = vector.broadcast %shift_right_arithmetic3A_851 : i32 to vector<16xi32>
    %shift_right_arithmetic3A_853 = arith.shrsi %add3A_848, %shift_right_arithmetic3A_852 : vector<16xi32>
    %and3A_854 = arith.constant 7 : i32
    %and3A_855 = vector.broadcast %and3A_854 : i32 to vector<16xi32>
    %and3A_856 = arith.andi %add3A_848, %and3A_855 : vector<16xi32>
    %and3A_857 = arith.constant 127 : i32
    %and3A_858 = vector.broadcast %and3A_857 : i32 to vector<16xi32>
    %and3A_859 = arith.andi %gather3A_162, %and3A_858 : vector<16xi32>
    %gather3A_860 = tpu.vector_load_idx %arg6[%broadcast_in_dim3A_850, %shift_right_arithmetic3A_853, %and3A_856, %and3A_859] : memref<8x8x8x128xf32, #tpu.memory_space<vmem>>[vector<16xi32>, vector<16xi32>, vector<16xi32>, vector<16xi32>], vector<16xf32>,
    %swap3A_861 = arith.constant 3 : i32
    %swap3A_862 = arith.index_cast %swap3A_861 : i32 to index
    %swap3A_863 = arith.constant 48 : index
    %swap3A_864 = tpu.vector_load %arg7[%swap3A_862, %swap3A_863] {strides = array<i32>} : memref<8x64xf32, #tpu.memory_space<vmem>>, vector<16xf32>,
    tpu.vector_store %arg7[%swap3A_862, %swap3A_863], %gather3A_860 {strides = array<i32>} : memref<8x64xf32, #tpu.memory_space<vmem>>, vector<16xf32>,
    %dma_start3A_865 = arith.constant 3 : i32
    %dma_start3A_866 = arith.constant 0 : i32
    %dma_start3A_867 = tpu.memref_slice %arg7[%dma_start3A_865, %dma_start3A_866] : memref<8x64xf32, #tpu.memory_space<vmem>> -> memref<1x64xf32, #tpu.memory_space<vmem>>
    %dma_start3A_868 = tpu.memref_squeeze %dma_start3A_867 : memref<1x64xf32, #tpu.memory_space<vmem>> -> memref<64xf32, #tpu.memory_space<vmem>>
    %dma_start3A_869 = arith.constant 0 : i32
    %dma_start3A_870 = tpu.memref_slice %arg4[%add3A_767, %select_n3A, %dma_start3A_869] : memref<16x8x64xf32, #tpu.memory_space<hbm>> -> memref<1x1x64xf32, #tpu.memory_space<hbm>>
    %dma_start3A_871 = tpu.memref_squeeze %dma_start3A_870 : memref<1x1x64xf32, #tpu.memory_space<hbm>> -> memref<64xf32, #tpu.memory_space<hbm>>
    %dma_start3A_872 = arith.constant 0 : i32
    %dma_start3A_873 = tpu.memref_slice %arg4[%add3A_767, %select_n3A, %dma_start3A_872] : memref<16x8x64xf32, #tpu.memory_space<hbm>> -> memref<1x1x64xf32, #tpu.memory_space<hbm>>
    %dma_start3A_874 = tpu.memref_squeeze %dma_start3A_873 : memref<1x1x64xf32, #tpu.memory_space<hbm>> -> memref<64xf32, #tpu.memory_space<hbm>>
    %dma_start3A_875 = arith.constant 0 : i32
    %dma_start3A_876 = tpu.memref_slice %arg7[%dma_start3A_865, %dma_start3A_875] : memref<8x64xf32, #tpu.memory_space<vmem>> -> memref<1x64xf32, #tpu.memory_space<vmem>>
    %dma_start3A_877 = tpu.memref_squeeze %dma_start3A_876 : memref<1x64xf32, #tpu.memory_space<vmem>> -> memref<64xf32, #tpu.memory_space<vmem>>
    tpu.enqueue_dma source(%dma_start3A_877 : memref<64xf32, #tpu.memory_space<vmem>>) target(%dma_start3A_874 : memref<64xf32, #tpu.memory_space<hbm>>) target_semaphore(%arg9 : memref<!tpu.dma_semaphore, #tpu.memory_space<semaphore_mem>>)
    %jit3A_878 = arith.constant 16 : i32
    %eq3A_879 = arith.constant 0 : i32
    %eq3A_880 = arith.cmpi eq, %jit3A_878, %eq3A_879 : i32
    %jit3A_881 = arith.constant 1 : i32
    %select_n3A_882 = arith.select %eq3A_880, %jit3A_881, %jit3A_878 : i32
    %rem3A_883 = arith.remsi %mul3A_0, %select_n3A_882 : i32
    %ne3A_884 = arith.constant 0 : i32
    %ne3A_885 = arith.cmpi ne, %rem3A_883, %ne3A_884 : i32
    %lt3A_886 = arith.constant 0 : i32
    %lt3A_887 = arith.cmpi slt, %rem3A_883, %lt3A_886 : i32
    %lt3A_888 = arith.constant 0 : i32
    %lt3A_889 = arith.cmpi slt, %select_n3A_882, %lt3A_888 : i32
    %ne3A_890 = arith.xori %lt3A_887, %lt3A_889 : i1
    %and3A_891 = arith.andi %ne3A_890, %ne3A_885 : i1
    %add3A_892 = arith.addi %rem3A_883, %select_n3A_882 : i32
    %select_n3A_893 = arith.select %and3A_891, %add3A_892, %rem3A_883 : i32
    %add3A_894 = arith.constant 4 : i32
    %add3A_895 = arith.addi %select_n3A_893, %add3A_894 : i32
    %dma_wait3A_896 = arith.constant 4 : i32
    %dma_wait3A_897 = arith.constant 0 : i32
    %dma_wait3A_898 = arith.constant 0 : i32
    %dma_wait3A_899 = arith.constant 0 : i32
    %dma_wait3A_900 = tpu.memref_slice %arg6[%dma_wait3A_896, %dma_wait3A_897, %dma_wait3A_898, %dma_wait3A_899] : memref<8x8x8x128xf32, #tpu.memory_space<vmem>> -> memref<1x8x8x128xf32, #tpu.memory_space<vmem>>
    %dma_wait3A_901 = tpu.memref_squeeze %dma_wait3A_900 : memref<1x8x8x128xf32, #tpu.memory_space<vmem>> -> memref<8x8x128xf32, #tpu.memory_space<vmem>>
    %dma_wait3A_902 = arith.constant 0 : i32
    %dma_wait3A_903 = arith.constant 0 : i32
    %dma_wait3A_904 = arith.constant 0 : i32
    %dma_wait3A_905 = tpu.memref_slice %arg2[%add3A_205, %dma_wait3A_902, %shift_right_arithmetic3A_211, %dma_wait3A_903, %dma_wait3A_904] : memref<16x8x256x8x128xf32, #tpu.memory_space<hbm>> -> memref<1x8x1x8x128xf32, #tpu.memory_space<hbm>>
    %dma_wait3A_906 = tpu.memref_squeeze %dma_wait3A_905 : memref<1x8x1x8x128xf32, #tpu.memory_space<hbm>> -> memref<8x8x128xf32, #tpu.memory_space<hbm>>
    %dma_wait3A_907 = arith.constant 0 : i32
    %dma_wait3A_908 = arith.constant 0 : i32
    %dma_wait3A_909 = arith.constant 0 : i32
    %dma_wait3A_910 = tpu.memref_slice %arg6[%dma_wait3A_896, %dma_wait3A_907, %dma_wait3A_908, %dma_wait3A_909] : memref<8x8x8x128xf32, #tpu.memory_space<vmem>> -> memref<1x8x8x128xf32, #tpu.memory_space<vmem>>
    %dma_wait3A_911 = tpu.memref_squeeze %dma_wait3A_910 : memref<1x8x8x128xf32, #tpu.memory_space<vmem>> -> memref<8x8x128xf32, #tpu.memory_space<vmem>>
    %dma_wait3A_912 = arith.constant 0 : i32
    %dma_wait3A_913 = arith.constant 0 : i32
    %dma_wait3A_914 = arith.constant 0 : i32
    %dma_wait3A_915 = tpu.memref_slice %arg2[%add3A_205, %dma_wait3A_912, %shift_right_arithmetic3A_211, %dma_wait3A_913, %dma_wait3A_914] : memref<16x8x256x8x128xf32, #tpu.memory_space<hbm>> -> memref<1x8x1x8x128xf32, #tpu.memory_space<hbm>>
    %dma_wait3A_916 = tpu.memref_squeeze %dma_wait3A_915 : memref<1x8x1x8x128xf32, #tpu.memory_space<hbm>> -> memref<8x8x128xf32, #tpu.memory_space<hbm>>
    tpu.wait_dma2 semaphore(%arg8 : memref<!tpu.dma_semaphore, #tpu.memory_space<semaphore_mem>>) src(%dma_wait3A_916 : memref<8x8x128xf32, #tpu.memory_space<hbm>>) dst(%dma_wait3A_911 : memref<8x8x128xf32, #tpu.memory_space<vmem>>)
    %add3A_917 = arith.constant 0 : i32
    %add3A_918 = vector.broadcast %add3A_917 : i32 to vector<16xi32>
    %add3A_919 = arith.addi %add3A_918, %iota3A : vector<16xi32>
    %broadcast_in_dim3A_920 = arith.constant 4 : i32
    %broadcast_in_dim3A_921 = vector.broadcast %broadcast_in_dim3A_920 : i32 to vector<16xi32>
    %shift_right_arithmetic3A_922 = arith.constant 3 : i32
    %shift_right_arithmetic3A_923 = vector.broadcast %shift_right_arithmetic3A_922 : i32 to vector<16xi32>
    %shift_right_arithmetic3A_924 = arith.shrsi %add3A_919, %shift_right_arithmetic3A_923 : vector<16xi32>
    %and3A_925 = arith.constant 7 : i32
    %and3A_926 = vector.broadcast %and3A_925 : i32 to vector<16xi32>
    %and3A_927 = arith.andi %add3A_919, %and3A_926 : vector<16xi32>
    %and3A_928 = arith.constant 127 : i32
    %and3A_929 = vector.broadcast %and3A_928 : i32 to vector<16xi32>
    %and3A_930 = arith.andi %gather3A_207, %and3A_929 : vector<16xi32>
    %gather3A_931 = tpu.vector_load_idx %arg6[%broadcast_in_dim3A_921, %shift_right_arithmetic3A_924, %and3A_927, %and3A_930] : memref<8x8x8x128xf32, #tpu.memory_space<vmem>>[vector<16xi32>, vector<16xi32>, vector<16xi32>, vector<16xi32>], vector<16xf32>,
    %swap3A_932 = arith.constant 4 : i32
    %swap3A_933 = arith.index_cast %swap3A_932 : i32 to index
    %swap3A_934 = arith.constant 0 : index
    %swap3A_935 = tpu.vector_load %arg7[%swap3A_933, %swap3A_934] {strides = array<i32>} : memref<8x64xf32, #tpu.memory_space<vmem>>, vector<16xf32>,
    tpu.vector_store %arg7[%swap3A_933, %swap3A_934], %gather3A_931 {strides = array<i32>} : memref<8x64xf32, #tpu.memory_space<vmem>>, vector<16xf32>,
    %add3A_936 = arith.constant 16 : i32
    %add3A_937 = vector.broadcast %add3A_936 : i32 to vector<16xi32>
    %add3A_938 = arith.addi %add3A_937, %iota3A : vector<16xi32>
    %broadcast_in_dim3A_939 = arith.constant 4 : i32
    %broadcast_in_dim3A_940 = vector.broadcast %broadcast_in_dim3A_939 : i32 to vector<16xi32>
    %shift_right_arithmetic3A_941 = arith.constant 3 : i32
    %shift_right_arithmetic3A_942 = vector.broadcast %shift_right_arithmetic3A_941 : i32 to vector<16xi32>
    %shift_right_arithmetic3A_943 = arith.shrsi %add3A_938, %shift_right_arithmetic3A_942 : vector<16xi32>
    %and3A_944 = arith.constant 7 : i32
    %and3A_945 = vector.broadcast %and3A_944 : i32 to vector<16xi32>
    %and3A_946 = arith.andi %add3A_938, %and3A_945 : vector<16xi32>
    %and3A_947 = arith.constant 127 : i32
    %and3A_948 = vector.broadcast %and3A_947 : i32 to vector<16xi32>
    %and3A_949 = arith.andi %gather3A_207, %and3A_948 : vector<16xi32>
    %gather3A_950 = tpu.vector_load_idx %arg6[%broadcast_in_dim3A_940, %shift_right_arithmetic3A_943, %and3A_946, %and3A_949] : memref<8x8x8x128xf32, #tpu.memory_space<vmem>>[vector<16xi32>, vector<16xi32>, vector<16xi32>, vector<16xi32>], vector<16xf32>,
    %swap3A_951 = arith.constant 4 : i32
    %swap3A_952 = arith.index_cast %swap3A_951 : i32 to index
    %swap3A_953 = arith.constant 16 : index
    %swap3A_954 = tpu.vector_load %arg7[%swap3A_952, %swap3A_953] {strides = array<i32>} : memref<8x64xf32, #tpu.memory_space<vmem>>, vector<16xf32>,
    tpu.vector_store %arg7[%swap3A_952, %swap3A_953], %gather3A_950 {strides = array<i32>} : memref<8x64xf32, #tpu.memory_space<vmem>>, vector<16xf32>,
    %add3A_955 = arith.constant 32 : i32
    %add3A_956 = vector.broadcast %add3A_955 : i32 to vector<16xi32>
    %add3A_957 = arith.addi %add3A_956, %iota3A : vector<16xi32>
    %broadcast_in_dim3A_958 = arith.constant 4 : i32
    %broadcast_in_dim3A_959 = vector.broadcast %broadcast_in_dim3A_958 : i32 to vector<16xi32>
    %shift_right_arithmetic3A_960 = arith.constant 3 : i32
    %shift_right_arithmetic3A_961 = vector.broadcast %shift_right_arithmetic3A_960 : i32 to vector<16xi32>
    %shift_right_arithmetic3A_962 = arith.shrsi %add3A_957, %shift_right_arithmetic3A_961 : vector<16xi32>
    %and3A_963 = arith.constant 7 : i32
    %and3A_964 = vector.broadcast %and3A_963 : i32 to vector<16xi32>
    %and3A_965 = arith.andi %add3A_957, %and3A_964 : vector<16xi32>
    %and3A_966 = arith.constant 127 : i32
    %and3A_967 = vector.broadcast %and3A_966 : i32 to vector<16xi32>
    %and3A_968 = arith.andi %gather3A_207, %and3A_967 : vector<16xi32>
    %gather3A_969 = tpu.vector_load_idx %arg6[%broadcast_in_dim3A_959, %shift_right_arithmetic3A_962, %and3A_965, %and3A_968] : memref<8x8x8x128xf32, #tpu.memory_space<vmem>>[vector<16xi32>, vector<16xi32>, vector<16xi32>, vector<16xi32>], vector<16xf32>,
    %swap3A_970 = arith.constant 4 : i32
    %swap3A_971 = arith.index_cast %swap3A_970 : i32 to index
    %swap3A_972 = arith.constant 32 : index
    %swap3A_973 = tpu.vector_load %arg7[%swap3A_971, %swap3A_972] {strides = array<i32>} : memref<8x64xf32, #tpu.memory_space<vmem>>, vector<16xf32>,
    tpu.vector_store %arg7[%swap3A_971, %swap3A_972], %gather3A_969 {strides = array<i32>} : memref<8x64xf32, #tpu.memory_space<vmem>>, vector<16xf32>,
    %add3A_974 = arith.constant 48 : i32
    %add3A_975 = vector.broadcast %add3A_974 : i32 to vector<16xi32>
    %add3A_976 = arith.addi %add3A_975, %iota3A : vector<16xi32>
    %broadcast_in_dim3A_977 = arith.constant 4 : i32
    %broadcast_in_dim3A_978 = vector.broadcast %broadcast_in_dim3A_977 : i32 to vector<16xi32>
    %shift_right_arithmetic3A_979 = arith.constant 3 : i32
    %shift_right_arithmetic3A_980 = vector.broadcast %shift_right_arithmetic3A_979 : i32 to vector<16xi32>
    %shift_right_arithmetic3A_981 = arith.shrsi %add3A_976, %shift_right_arithmetic3A_980 : vector<16xi32>
    %and3A_982 = arith.constant 7 : i32
    %and3A_983 = vector.broadcast %and3A_982 : i32 to vector<16xi32>
    %and3A_984 = arith.andi %add3A_976, %and3A_983 : vector<16xi32>
    %and3A_985 = arith.constant 127 : i32
    %and3A_986 = vector.broadcast %and3A_985 : i32 to vector<16xi32>
    %and3A_987 = arith.andi %gather3A_207, %and3A_986 : vector<16xi32>
    %gather3A_988 = tpu.vector_load_idx %arg6[%broadcast_in_dim3A_978, %shift_right_arithmetic3A_981, %and3A_984, %and3A_987] : memref<8x8x8x128xf32, #tpu.memory_space<vmem>>[vector<16xi32>, vector<16xi32>, vector<16xi32>, vector<16xi32>], vector<16xf32>,
    %swap3A_989 = arith.constant 4 : i32
    %swap3A_990 = arith.index_cast %swap3A_989 : i32 to index
    %swap3A_991 = arith.constant 48 : index
    %swap3A_992 = tpu.vector_load %arg7[%swap3A_990, %swap3A_991] {strides = array<i32>} : memref<8x64xf32, #tpu.memory_space<vmem>>, vector<16xf32>,
    tpu.vector_store %arg7[%swap3A_990, %swap3A_991], %gather3A_988 {strides = array<i32>} : memref<8x64xf32, #tpu.memory_space<vmem>>, vector<16xf32>,
    %dma_start3A_993 = arith.constant 4 : i32
    %dma_start3A_994 = arith.constant 0 : i32
    %dma_start3A_995 = tpu.memref_slice %arg7[%dma_start3A_993, %dma_start3A_994] : memref<8x64xf32, #tpu.memory_space<vmem>> -> memref<1x64xf32, #tpu.memory_space<vmem>>
    %dma_start3A_996 = tpu.memref_squeeze %dma_start3A_995 : memref<1x64xf32, #tpu.memory_space<vmem>> -> memref<64xf32, #tpu.memory_space<vmem>>
    %dma_start3A_997 = arith.constant 0 : i32
    %dma_start3A_998 = tpu.memref_slice %arg4[%add3A_895, %select_n3A, %dma_start3A_997] : memref<16x8x64xf32, #tpu.memory_space<hbm>> -> memref<1x1x64xf32, #tpu.memory_space<hbm>>
    %dma_start3A_999 = tpu.memref_squeeze %dma_start3A_998 : memref<1x1x64xf32, #tpu.memory_space<hbm>> -> memref<64xf32, #tpu.memory_space<hbm>>
    %dma_start3A_1000 = arith.constant 0 : i32
    %dma_start3A_1001 = tpu.memref_slice %arg4[%add3A_895, %select_n3A, %dma_start3A_1000] : memref<16x8x64xf32, #tpu.memory_space<hbm>> -> memref<1x1x64xf32, #tpu.memory_space<hbm>>
    %dma_start3A_1002 = tpu.memref_squeeze %dma_start3A_1001 : memref<1x1x64xf32, #tpu.memory_space<hbm>> -> memref<64xf32, #tpu.memory_space<hbm>>
    %dma_start3A_1003 = arith.constant 0 : i32
    %dma_start3A_1004 = tpu.memref_slice %arg7[%dma_start3A_993, %dma_start3A_1003] : memref<8x64xf32, #tpu.memory_space<vmem>> -> memref<1x64xf32, #tpu.memory_space<vmem>>
    %dma_start3A_1005 = tpu.memref_squeeze %dma_start3A_1004 : memref<1x64xf32, #tpu.memory_space<vmem>> -> memref<64xf32, #tpu.memory_space<vmem>>
    tpu.enqueue_dma source(%dma_start3A_1005 : memref<64xf32, #tpu.memory_space<vmem>>) target(%dma_start3A_1002 : memref<64xf32, #tpu.memory_space<hbm>>) target_semaphore(%arg9 : memref<!tpu.dma_semaphore, #tpu.memory_space<semaphore_mem>>)
    %jit3A_1006 = arith.constant 16 : i32
    %eq3A_1007 = arith.constant 0 : i32
    %eq3A_1008 = arith.cmpi eq, %jit3A_1006, %eq3A_1007 : i32
    %jit3A_1009 = arith.constant 1 : i32
    %select_n3A_1010 = arith.select %eq3A_1008, %jit3A_1009, %jit3A_1006 : i32
    %rem3A_1011 = arith.remsi %mul3A_0, %select_n3A_1010 : i32
    %ne3A_1012 = arith.constant 0 : i32
    %ne3A_1013 = arith.cmpi ne, %rem3A_1011, %ne3A_1012 : i32
    %lt3A_1014 = arith.constant 0 : i32
    %lt3A_1015 = arith.cmpi slt, %rem3A_1011, %lt3A_1014 : i32
    %lt3A_1016 = arith.constant 0 : i32
    %lt3A_1017 = arith.cmpi slt, %select_n3A_1010, %lt3A_1016 : i32
    %ne3A_1018 = arith.xori %lt3A_1015, %lt3A_1017 : i1
    %and3A_1019 = arith.andi %ne3A_1018, %ne3A_1013 : i1
    %add3A_1020 = arith.addi %rem3A_1011, %select_n3A_1010 : i32
    %select_n3A_1021 = arith.select %and3A_1019, %add3A_1020, %rem3A_1011 : i32
    %add3A_1022 = arith.constant 5 : i32
    %add3A_1023 = arith.addi %select_n3A_1021, %add3A_1022 : i32
    %dma_wait3A_1024 = arith.constant 5 : i32
    %dma_wait3A_1025 = arith.constant 0 : i32
    %dma_wait3A_1026 = arith.constant 0 : i32
    %dma_wait3A_1027 = arith.constant 0 : i32
    %dma_wait3A_1028 = tpu.memref_slice %arg6[%dma_wait3A_1024, %dma_wait3A_1025, %dma_wait3A_1026, %dma_wait3A_1027] : memref<8x8x8x128xf32, #tpu.memory_space<vmem>> -> memref<1x8x8x128xf32, #tpu.memory_space<vmem>>
    %dma_wait3A_1029 = tpu.memref_squeeze %dma_wait3A_1028 : memref<1x8x8x128xf32, #tpu.memory_space<vmem>> -> memref<8x8x128xf32, #tpu.memory_space<vmem>>
    %dma_wait3A_1030 = arith.constant 0 : i32
    %dma_wait3A_1031 = arith.constant 0 : i32
    %dma_wait3A_1032 = arith.constant 0 : i32
    %dma_wait3A_1033 = tpu.memref_slice %arg2[%add3A_250, %dma_wait3A_1030, %shift_right_arithmetic3A_256, %dma_wait3A_1031, %dma_wait3A_1032] : memref<16x8x256x8x128xf32, #tpu.memory_space<hbm>> -> memref<1x8x1x8x128xf32, #tpu.memory_space<hbm>>
    %dma_wait3A_1034 = tpu.memref_squeeze %dma_wait3A_1033 : memref<1x8x1x8x128xf32, #tpu.memory_space<hbm>> -> memref<8x8x128xf32, #tpu.memory_space<hbm>>
    %dma_wait3A_1035 = arith.constant 0 : i32
    %dma_wait3A_1036 = arith.constant 0 : i32
    %dma_wait3A_1037 = arith.constant 0 : i32
    %dma_wait3A_1038 = tpu.memref_slice %arg6[%dma_wait3A_1024, %dma_wait3A_1035, %dma_wait3A_1036, %dma_wait3A_1037] : memref<8x8x8x128xf32, #tpu.memory_space<vmem>> -> memref<1x8x8x128xf32, #tpu.memory_space<vmem>>
    %dma_wait3A_1039 = tpu.memref_squeeze %dma_wait3A_1038 : memref<1x8x8x128xf32, #tpu.memory_space<vmem>> -> memref<8x8x128xf32, #tpu.memory_space<vmem>>
    %dma_wait3A_1040 = arith.constant 0 : i32
    %dma_wait3A_1041 = arith.constant 0 : i32
    %dma_wait3A_1042 = arith.constant 0 : i32
    %dma_wait3A_1043 = tpu.memref_slice %arg2[%add3A_250, %dma_wait3A_1040, %shift_right_arithmetic3A_256, %dma_wait3A_1041, %dma_wait3A_1042] : memref<16x8x256x8x128xf32, #tpu.memory_space<hbm>> -> memref<1x8x1x8x128xf32, #tpu.memory_space<hbm>>
    %dma_wait3A_1044 = tpu.memref_squeeze %dma_wait3A_1043 : memref<1x8x1x8x128xf32, #tpu.memory_space<hbm>> -> memref<8x8x128xf32, #tpu.memory_space<hbm>>
    tpu.wait_dma2 semaphore(%arg8 : memref<!tpu.dma_semaphore, #tpu.memory_space<semaphore_mem>>) src(%dma_wait3A_1044 : memref<8x8x128xf32, #tpu.memory_space<hbm>>) dst(%dma_wait3A_1039 : memref<8x8x128xf32, #tpu.memory_space<vmem>>)
    %add3A_1045 = arith.constant 0 : i32
    %add3A_1046 = vector.broadcast %add3A_1045 : i32 to vector<16xi32>
    %add3A_1047 = arith.addi %add3A_1046, %iota3A : vector<16xi32>
    %broadcast_in_dim3A_1048 = arith.constant 5 : i32
    %broadcast_in_dim3A_1049 = vector.broadcast %broadcast_in_dim3A_1048 : i32 to vector<16xi32>
    %shift_right_arithmetic3A_1050 = arith.constant 3 : i32
    %shift_right_arithmetic3A_1051 = vector.broadcast %shift_right_arithmetic3A_1050 : i32 to vector<16xi32>
    %shift_right_arithmetic3A_1052 = arith.shrsi %add3A_1047, %shift_right_arithmetic3A_1051 : vector<16xi32>
    %and3A_1053 = arith.constant 7 : i32
    %and3A_1054 = vector.broadcast %and3A_1053 : i32 to vector<16xi32>
    %and3A_1055 = arith.andi %add3A_1047, %and3A_1054 : vector<16xi32>
    %and3A_1056 = arith.constant 127 : i32
    %and3A_1057 = vector.broadcast %and3A_1056 : i32 to vector<16xi32>
    %and3A_1058 = arith.andi %gather3A_252, %and3A_1057 : vector<16xi32>
    %gather3A_1059 = tpu.vector_load_idx %arg6[%broadcast_in_dim3A_1049, %shift_right_arithmetic3A_1052, %and3A_1055, %and3A_1058] : memref<8x8x8x128xf32, #tpu.memory_space<vmem>>[vector<16xi32>, vector<16xi32>, vector<16xi32>, vector<16xi32>], vector<16xf32>,
    %swap3A_1060 = arith.constant 5 : i32
    %swap3A_1061 = arith.index_cast %swap3A_1060 : i32 to index
    %swap3A_1062 = arith.constant 0 : index
    %swap3A_1063 = tpu.vector_load %arg7[%swap3A_1061, %swap3A_1062] {strides = array<i32>} : memref<8x64xf32, #tpu.memory_space<vmem>>, vector<16xf32>,
    tpu.vector_store %arg7[%swap3A_1061, %swap3A_1062], %gather3A_1059 {strides = array<i32>} : memref<8x64xf32, #tpu.memory_space<vmem>>, vector<16xf32>,
    %add3A_1064 = arith.constant 16 : i32
    %add3A_1065 = vector.broadcast %add3A_1064 : i32 to vector<16xi32>
    %add3A_1066 = arith.addi %add3A_1065, %iota3A : vector<16xi32>
    %broadcast_in_dim3A_1067 = arith.constant 5 : i32
    %broadcast_in_dim3A_1068 = vector.broadcast %broadcast_in_dim3A_1067 : i32 to vector<16xi32>
    %shift_right_arithmetic3A_1069 = arith.constant 3 : i32
    %shift_right_arithmetic3A_1070 = vector.broadcast %shift_right_arithmetic3A_1069 : i32 to vector<16xi32>
    %shift_right_arithmetic3A_1071 = arith.shrsi %add3A_1066, %shift_right_arithmetic3A_1070 : vector<16xi32>
    %and3A_1072 = arith.constant 7 : i32
    %and3A_1073 = vector.broadcast %and3A_1072 : i32 to vector<16xi32>
    %and3A_1074 = arith.andi %add3A_1066, %and3A_1073 : vector<16xi32>
    %and3A_1075 = arith.constant 127 : i32
    %and3A_1076 = vector.broadcast %and3A_1075 : i32 to vector<16xi32>
    %and3A_1077 = arith.andi %gather3A_252, %and3A_1076 : vector<16xi32>
    %gather3A_1078 = tpu.vector_load_idx %arg6[%broadcast_in_dim3A_1068, %shift_right_arithmetic3A_1071, %and3A_1074, %and3A_1077] : memref<8x8x8x128xf32, #tpu.memory_space<vmem>>[vector<16xi32>, vector<16xi32>, vector<16xi32>, vector<16xi32>], vector<16xf32>,
    %swap3A_1079 = arith.constant 5 : i32
    %swap3A_1080 = arith.index_cast %swap3A_1079 : i32 to index
    %swap3A_1081 = arith.constant 16 : index
    %swap3A_1082 = tpu.vector_load %arg7[%swap3A_1080, %swap3A_1081] {strides = array<i32>} : memref<8x64xf32, #tpu.memory_space<vmem>>, vector<16xf32>,
    tpu.vector_store %arg7[%swap3A_1080, %swap3A_1081], %gather3A_1078 {strides = array<i32>} : memref<8x64xf32, #tpu.memory_space<vmem>>, vector<16xf32>,
    %add3A_1083 = arith.constant 32 : i32
    %add3A_1084 = vector.broadcast %add3A_1083 : i32 to vector<16xi32>
    %add3A_1085 = arith.addi %add3A_1084, %iota3A : vector<16xi32>
    %broadcast_in_dim3A_1086 = arith.constant 5 : i32
    %broadcast_in_dim3A_1087 = vector.broadcast %broadcast_in_dim3A_1086 : i32 to vector<16xi32>
    %shift_right_arithmetic3A_1088 = arith.constant 3 : i32
    %shift_right_arithmetic3A_1089 = vector.broadcast %shift_right_arithmetic3A_1088 : i32 to vector<16xi32>
    %shift_right_arithmetic3A_1090 = arith.shrsi %add3A_1085, %shift_right_arithmetic3A_1089 : vector<16xi32>
    %and3A_1091 = arith.constant 7 : i32
    %and3A_1092 = vector.broadcast %and3A_1091 : i32 to vector<16xi32>
    %and3A_1093 = arith.andi %add3A_1085, %and3A_1092 : vector<16xi32>
    %and3A_1094 = arith.constant 127 : i32
    %and3A_1095 = vector.broadcast %and3A_1094 : i32 to vector<16xi32>
    %and3A_1096 = arith.andi %gather3A_252, %and3A_1095 : vector<16xi32>
    %gather3A_1097 = tpu.vector_load_idx %arg6[%broadcast_in_dim3A_1087, %shift_right_arithmetic3A_1090, %and3A_1093, %and3A_1096] : memref<8x8x8x128xf32, #tpu.memory_space<vmem>>[vector<16xi32>, vector<16xi32>, vector<16xi32>, vector<16xi32>], vector<16xf32>,
    %swap3A_1098 = arith.constant 5 : i32
    %swap3A_1099 = arith.index_cast %swap3A_1098 : i32 to index
    %swap3A_1100 = arith.constant 32 : index
    %swap3A_1101 = tpu.vector_load %arg7[%swap3A_1099, %swap3A_1100] {strides = array<i32>} : memref<8x64xf32, #tpu.memory_space<vmem>>, vector<16xf32>,
    tpu.vector_store %arg7[%swap3A_1099, %swap3A_1100], %gather3A_1097 {strides = array<i32>} : memref<8x64xf32, #tpu.memory_space<vmem>>, vector<16xf32>,
    %add3A_1102 = arith.constant 48 : i32
    %add3A_1103 = vector.broadcast %add3A_1102 : i32 to vector<16xi32>
    %add3A_1104 = arith.addi %add3A_1103, %iota3A : vector<16xi32>
    %broadcast_in_dim3A_1105 = arith.constant 5 : i32
    %broadcast_in_dim3A_1106 = vector.broadcast %broadcast_in_dim3A_1105 : i32 to vector<16xi32>
    %shift_right_arithmetic3A_1107 = arith.constant 3 : i32
    %shift_right_arithmetic3A_1108 = vector.broadcast %shift_right_arithmetic3A_1107 : i32 to vector<16xi32>
    %shift_right_arithmetic3A_1109 = arith.shrsi %add3A_1104, %shift_right_arithmetic3A_1108 : vector<16xi32>
    %and3A_1110 = arith.constant 7 : i32
    %and3A_1111 = vector.broadcast %and3A_1110 : i32 to vector<16xi32>
    %and3A_1112 = arith.andi %add3A_1104, %and3A_1111 : vector<16xi32>
    %and3A_1113 = arith.constant 127 : i32
    %and3A_1114 = vector.broadcast %and3A_1113 : i32 to vector<16xi32>
    %and3A_1115 = arith.andi %gather3A_252, %and3A_1114 : vector<16xi32>
    %gather3A_1116 = tpu.vector_load_idx %arg6[%broadcast_in_dim3A_1106, %shift_right_arithmetic3A_1109, %and3A_1112, %and3A_1115] : memref<8x8x8x128xf32, #tpu.memory_space<vmem>>[vector<16xi32>, vector<16xi32>, vector<16xi32>, vector<16xi32>], vector<16xf32>,
    %swap3A_1117 = arith.constant 5 : i32
    %swap3A_1118 = arith.index_cast %swap3A_1117 : i32 to index
    %swap3A_1119 = arith.constant 48 : index
    %swap3A_1120 = tpu.vector_load %arg7[%swap3A_1118, %swap3A_1119] {strides = array<i32>} : memref<8x64xf32, #tpu.memory_space<vmem>>, vector<16xf32>,
    tpu.vector_store %arg7[%swap3A_1118, %swap3A_1119], %gather3A_1116 {strides = array<i32>} : memref<8x64xf32, #tpu.memory_space<vmem>>, vector<16xf32>,
    %dma_start3A_1121 = arith.constant 5 : i32
    %dma_start3A_1122 = arith.constant 0 : i32
    %dma_start3A_1123 = tpu.memref_slice %arg7[%dma_start3A_1121, %dma_start3A_1122] : memref<8x64xf32, #tpu.memory_space<vmem>> -> memref<1x64xf32, #tpu.memory_space<vmem>>
    %dma_start3A_1124 = tpu.memref_squeeze %dma_start3A_1123 : memref<1x64xf32, #tpu.memory_space<vmem>> -> memref<64xf32, #tpu.memory_space<vmem>>
    %dma_start3A_1125 = arith.constant 0 : i32
    %dma_start3A_1126 = tpu.memref_slice %arg4[%add3A_1023, %select_n3A, %dma_start3A_1125] : memref<16x8x64xf32, #tpu.memory_space<hbm>> -> memref<1x1x64xf32, #tpu.memory_space<hbm>>
    %dma_start3A_1127 = tpu.memref_squeeze %dma_start3A_1126 : memref<1x1x64xf32, #tpu.memory_space<hbm>> -> memref<64xf32, #tpu.memory_space<hbm>>
    %dma_start3A_1128 = arith.constant 0 : i32
    %dma_start3A_1129 = tpu.memref_slice %arg4[%add3A_1023, %select_n3A, %dma_start3A_1128] : memref<16x8x64xf32, #tpu.memory_space<hbm>> -> memref<1x1x64xf32, #tpu.memory_space<hbm>>
    %dma_start3A_1130 = tpu.memref_squeeze %dma_start3A_1129 : memref<1x1x64xf32, #tpu.memory_space<hbm>> -> memref<64xf32, #tpu.memory_space<hbm>>
    %dma_start3A_1131 = arith.constant 0 : i32
    %dma_start3A_1132 = tpu.memref_slice %arg7[%dma_start3A_1121, %dma_start3A_1131] : memref<8x64xf32, #tpu.memory_space<vmem>> -> memref<1x64xf32, #tpu.memory_space<vmem>>
    %dma_start3A_1133 = tpu.memref_squeeze %dma_start3A_1132 : memref<1x64xf32, #tpu.memory_space<vmem>> -> memref<64xf32, #tpu.memory_space<vmem>>
    tpu.enqueue_dma source(%dma_start3A_1133 : memref<64xf32, #tpu.memory_space<vmem>>) target(%dma_start3A_1130 : memref<64xf32, #tpu.memory_space<hbm>>) target_semaphore(%arg9 : memref<!tpu.dma_semaphore, #tpu.memory_space<semaphore_mem>>)
    %jit3A_1134 = arith.constant 16 : i32
    %eq3A_1135 = arith.constant 0 : i32
    %eq3A_1136 = arith.cmpi eq, %jit3A_1134, %eq3A_1135 : i32
    %jit3A_1137 = arith.constant 1 : i32
    %select_n3A_1138 = arith.select %eq3A_1136, %jit3A_1137, %jit3A_1134 : i32
    %rem3A_1139 = arith.remsi %mul3A_0, %select_n3A_1138 : i32
    %ne3A_1140 = arith.constant 0 : i32
    %ne3A_1141 = arith.cmpi ne, %rem3A_1139, %ne3A_1140 : i32
    %lt3A_1142 = arith.constant 0 : i32
    %lt3A_1143 = arith.cmpi slt, %rem3A_1139, %lt3A_1142 : i32
    %lt3A_1144 = arith.constant 0 : i32
    %lt3A_1145 = arith.cmpi slt, %select_n3A_1138, %lt3A_1144 : i32
    %ne3A_1146 = arith.xori %lt3A_1143, %lt3A_1145 : i1
    %and3A_1147 = arith.andi %ne3A_1146, %ne3A_1141 : i1
    %add3A_1148 = arith.addi %rem3A_1139, %select_n3A_1138 : i32
    %select_n3A_1149 = arith.select %and3A_1147, %add3A_1148, %rem3A_1139 : i32
    %add3A_1150 = arith.constant 6 : i32
    %add3A_1151 = arith.addi %select_n3A_1149, %add3A_1150 : i32
    %dma_wait3A_1152 = arith.constant 6 : i32
    %dma_wait3A_1153 = arith.constant 0 : i32
    %dma_wait3A_1154 = arith.constant 0 : i32
    %dma_wait3A_1155 = arith.constant 0 : i32
    %dma_wait3A_1156 = tpu.memref_slice %arg6[%dma_wait3A_1152, %dma_wait3A_1153, %dma_wait3A_1154, %dma_wait3A_1155] : memref<8x8x8x128xf32, #tpu.memory_space<vmem>> -> memref<1x8x8x128xf32, #tpu.memory_space<vmem>>
    %dma_wait3A_1157 = tpu.memref_squeeze %dma_wait3A_1156 : memref<1x8x8x128xf32, #tpu.memory_space<vmem>> -> memref<8x8x128xf32, #tpu.memory_space<vmem>>
    %dma_wait3A_1158 = arith.constant 0 : i32
    %dma_wait3A_1159 = arith.constant 0 : i32
    %dma_wait3A_1160 = arith.constant 0 : i32
    %dma_wait3A_1161 = tpu.memref_slice %arg2[%add3A_295, %dma_wait3A_1158, %shift_right_arithmetic3A_301, %dma_wait3A_1159, %dma_wait3A_1160] : memref<16x8x256x8x128xf32, #tpu.memory_space<hbm>> -> memref<1x8x1x8x128xf32, #tpu.memory_space<hbm>>
    %dma_wait3A_1162 = tpu.memref_squeeze %dma_wait3A_1161 : memref<1x8x1x8x128xf32, #tpu.memory_space<hbm>> -> memref<8x8x128xf32, #tpu.memory_space<hbm>>
    %dma_wait3A_1163 = arith.constant 0 : i32
    %dma_wait3A_1164 = arith.constant 0 : i32
    %dma_wait3A_1165 = arith.constant 0 : i32
    %dma_wait3A_1166 = tpu.memref_slice %arg6[%dma_wait3A_1152, %dma_wait3A_1163, %dma_wait3A_1164, %dma_wait3A_1165] : memref<8x8x8x128xf32, #tpu.memory_space<vmem>> -> memref<1x8x8x128xf32, #tpu.memory_space<vmem>>
    %dma_wait3A_1167 = tpu.memref_squeeze %dma_wait3A_1166 : memref<1x8x8x128xf32, #tpu.memory_space<vmem>> -> memref<8x8x128xf32, #tpu.memory_space<vmem>>
    %dma_wait3A_1168 = arith.constant 0 : i32
    %dma_wait3A_1169 = arith.constant 0 : i32
    %dma_wait3A_1170 = arith.constant 0 : i32
    %dma_wait3A_1171 = tpu.memref_slice %arg2[%add3A_295, %dma_wait3A_1168, %shift_right_arithmetic3A_301, %dma_wait3A_1169, %dma_wait3A_1170] : memref<16x8x256x8x128xf32, #tpu.memory_space<hbm>> -> memref<1x8x1x8x128xf32, #tpu.memory_space<hbm>>
    %dma_wait3A_1172 = tpu.memref_squeeze %dma_wait3A_1171 : memref<1x8x1x8x128xf32, #tpu.memory_space<hbm>> -> memref<8x8x128xf32, #tpu.memory_space<hbm>>
    tpu.wait_dma2 semaphore(%arg8 : memref<!tpu.dma_semaphore, #tpu.memory_space<semaphore_mem>>) src(%dma_wait3A_1172 : memref<8x8x128xf32, #tpu.memory_space<hbm>>) dst(%dma_wait3A_1167 : memref<8x8x128xf32, #tpu.memory_space<vmem>>)
    %add3A_1173 = arith.constant 0 : i32
    %add3A_1174 = vector.broadcast %add3A_1173 : i32 to vector<16xi32>
    %add3A_1175 = arith.addi %add3A_1174, %iota3A : vector<16xi32>
    %broadcast_in_dim3A_1176 = arith.constant 6 : i32
    %broadcast_in_dim3A_1177 = vector.broadcast %broadcast_in_dim3A_1176 : i32 to vector<16xi32>
    %shift_right_arithmetic3A_1178 = arith.constant 3 : i32
    %shift_right_arithmetic3A_1179 = vector.broadcast %shift_right_arithmetic3A_1178 : i32 to vector<16xi32>
    %shift_right_arithmetic3A_1180 = arith.shrsi %add3A_1175, %shift_right_arithmetic3A_1179 : vector<16xi32>
    %and3A_1181 = arith.constant 7 : i32
    %and3A_1182 = vector.broadcast %and3A_1181 : i32 to vector<16xi32>
    %and3A_1183 = arith.andi %add3A_1175, %and3A_1182 : vector<16xi32>
    %and3A_1184 = arith.constant 127 : i32
    %and3A_1185 = vector.broadcast %and3A_1184 : i32 to vector<16xi32>
    %and3A_1186 = arith.andi %gather3A_297, %and3A_1185 : vector<16xi32>
    %gather3A_1187 = tpu.vector_load_idx %arg6[%broadcast_in_dim3A_1177, %shift_right_arithmetic3A_1180, %and3A_1183, %and3A_1186] : memref<8x8x8x128xf32, #tpu.memory_space<vmem>>[vector<16xi32>, vector<16xi32>, vector<16xi32>, vector<16xi32>], vector<16xf32>,
    %swap3A_1188 = arith.constant 6 : i32
    %swap3A_1189 = arith.index_cast %swap3A_1188 : i32 to index
    %swap3A_1190 = arith.constant 0 : index
    %swap3A_1191 = tpu.vector_load %arg7[%swap3A_1189, %swap3A_1190] {strides = array<i32>} : memref<8x64xf32, #tpu.memory_space<vmem>>, vector<16xf32>,
    tpu.vector_store %arg7[%swap3A_1189, %swap3A_1190], %gather3A_1187 {strides = array<i32>} : memref<8x64xf32, #tpu.memory_space<vmem>>, vector<16xf32>,
    %add3A_1192 = arith.constant 16 : i32
    %add3A_1193 = vector.broadcast %add3A_1192 : i32 to vector<16xi32>
    %add3A_1194 = arith.addi %add3A_1193, %iota3A : vector<16xi32>
    %broadcast_in_dim3A_1195 = arith.constant 6 : i32
    %broadcast_in_dim3A_1196 = vector.broadcast %broadcast_in_dim3A_1195 : i32 to vector<16xi32>
    %shift_right_arithmetic3A_1197 = arith.constant 3 : i32
    %shift_right_arithmetic3A_1198 = vector.broadcast %shift_right_arithmetic3A_1197 : i32 to vector<16xi32>
    %shift_right_arithmetic3A_1199 = arith.shrsi %add3A_1194, %shift_right_arithmetic3A_1198 : vector<16xi32>
    %and3A_1200 = arith.constant 7 : i32
    %and3A_1201 = vector.broadcast %and3A_1200 : i32 to vector<16xi32>
    %and3A_1202 = arith.andi %add3A_1194, %and3A_1201 : vector<16xi32>
    %and3A_1203 = arith.constant 127 : i32
    %and3A_1204 = vector.broadcast %and3A_1203 : i32 to vector<16xi32>
    %and3A_1205 = arith.andi %gather3A_297, %and3A_1204 : vector<16xi32>
    %gather3A_1206 = tpu.vector_load_idx %arg6[%broadcast_in_dim3A_1196, %shift_right_arithmetic3A_1199, %and3A_1202, %and3A_1205] : memref<8x8x8x128xf32, #tpu.memory_space<vmem>>[vector<16xi32>, vector<16xi32>, vector<16xi32>, vector<16xi32>], vector<16xf32>,
    %swap3A_1207 = arith.constant 6 : i32
    %swap3A_1208 = arith.index_cast %swap3A_1207 : i32 to index
    %swap3A_1209 = arith.constant 16 : index
    %swap3A_1210 = tpu.vector_load %arg7[%swap3A_1208, %swap3A_1209] {strides = array<i32>} : memref<8x64xf32, #tpu.memory_space<vmem>>, vector<16xf32>,
    tpu.vector_store %arg7[%swap3A_1208, %swap3A_1209], %gather3A_1206 {strides = array<i32>} : memref<8x64xf32, #tpu.memory_space<vmem>>, vector<16xf32>,
    %add3A_1211 = arith.constant 32 : i32
    %add3A_1212 = vector.broadcast %add3A_1211 : i32 to vector<16xi32>
    %add3A_1213 = arith.addi %add3A_1212, %iota3A : vector<16xi32>
    %broadcast_in_dim3A_1214 = arith.constant 6 : i32
    %broadcast_in_dim3A_1215 = vector.broadcast %broadcast_in_dim3A_1214 : i32 to vector<16xi32>
    %shift_right_arithmetic3A_1216 = arith.constant 3 : i32
    %shift_right_arithmetic3A_1217 = vector.broadcast %shift_right_arithmetic3A_1216 : i32 to vector<16xi32>
    %shift_right_arithmetic3A_1218 = arith.shrsi %add3A_1213, %shift_right_arithmetic3A_1217 : vector<16xi32>
    %and3A_1219 = arith.constant 7 : i32
    %and3A_1220 = vector.broadcast %and3A_1219 : i32 to vector<16xi32>
    %and3A_1221 = arith.andi %add3A_1213, %and3A_1220 : vector<16xi32>
    %and3A_1222 = arith.constant 127 : i32
    %and3A_1223 = vector.broadcast %and3A_1222 : i32 to vector<16xi32>
    %and3A_1224 = arith.andi %gather3A_297, %and3A_1223 : vector<16xi32>
    %gather3A_1225 = tpu.vector_load_idx %arg6[%broadcast_in_dim3A_1215, %shift_right_arithmetic3A_1218, %and3A_1221, %and3A_1224] : memref<8x8x8x128xf32, #tpu.memory_space<vmem>>[vector<16xi32>, vector<16xi32>, vector<16xi32>, vector<16xi32>], vector<16xf32>,
    %swap3A_1226 = arith.constant 6 : i32
    %swap3A_1227 = arith.index_cast %swap3A_1226 : i32 to index
    %swap3A_1228 = arith.constant 32 : index
    %swap3A_1229 = tpu.vector_load %arg7[%swap3A_1227, %swap3A_1228] {strides = array<i32>} : memref<8x64xf32, #tpu.memory_space<vmem>>, vector<16xf32>,
    tpu.vector_store %arg7[%swap3A_1227, %swap3A_1228], %gather3A_1225 {strides = array<i32>} : memref<8x64xf32, #tpu.memory_space<vmem>>, vector<16xf32>,
    %add3A_1230 = arith.constant 48 : i32
    %add3A_1231 = vector.broadcast %add3A_1230 : i32 to vector<16xi32>
    %add3A_1232 = arith.addi %add3A_1231, %iota3A : vector<16xi32>
    %broadcast_in_dim3A_1233 = arith.constant 6 : i32
    %broadcast_in_dim3A_1234 = vector.broadcast %broadcast_in_dim3A_1233 : i32 to vector<16xi32>
    %shift_right_arithmetic3A_1235 = arith.constant 3 : i32
    %shift_right_arithmetic3A_1236 = vector.broadcast %shift_right_arithmetic3A_1235 : i32 to vector<16xi32>
    %shift_right_arithmetic3A_1237 = arith.shrsi %add3A_1232, %shift_right_arithmetic3A_1236 : vector<16xi32>
    %and3A_1238 = arith.constant 7 : i32
    %and3A_1239 = vector.broadcast %and3A_1238 : i32 to vector<16xi32>
    %and3A_1240 = arith.andi %add3A_1232, %and3A_1239 : vector<16xi32>
    %and3A_1241 = arith.constant 127 : i32
    %and3A_1242 = vector.broadcast %and3A_1241 : i32 to vector<16xi32>
    %and3A_1243 = arith.andi %gather3A_297, %and3A_1242 : vector<16xi32>
    %gather3A_1244 = tpu.vector_load_idx %arg6[%broadcast_in_dim3A_1234, %shift_right_arithmetic3A_1237, %and3A_1240, %and3A_1243] : memref<8x8x8x128xf32, #tpu.memory_space<vmem>>[vector<16xi32>, vector<16xi32>, vector<16xi32>, vector<16xi32>], vector<16xf32>,
    %swap3A_1245 = arith.constant 6 : i32
    %swap3A_1246 = arith.index_cast %swap3A_1245 : i32 to index
    %swap3A_1247 = arith.constant 48 : index
    %swap3A_1248 = tpu.vector_load %arg7[%swap3A_1246, %swap3A_1247] {strides = array<i32>} : memref<8x64xf32, #tpu.memory_space<vmem>>, vector<16xf32>,
    tpu.vector_store %arg7[%swap3A_1246, %swap3A_1247], %gather3A_1244 {strides = array<i32>} : memref<8x64xf32, #tpu.memory_space<vmem>>, vector<16xf32>,
    %dma_start3A_1249 = arith.constant 6 : i32
    %dma_start3A_1250 = arith.constant 0 : i32
    %dma_start3A_1251 = tpu.memref_slice %arg7[%dma_start3A_1249, %dma_start3A_1250] : memref<8x64xf32, #tpu.memory_space<vmem>> -> memref<1x64xf32, #tpu.memory_space<vmem>>
    %dma_start3A_1252 = tpu.memref_squeeze %dma_start3A_1251 : memref<1x64xf32, #tpu.memory_space<vmem>> -> memref<64xf32, #tpu.memory_space<vmem>>
    %dma_start3A_1253 = arith.constant 0 : i32
    %dma_start3A_1254 = tpu.memref_slice %arg4[%add3A_1151, %select_n3A, %dma_start3A_1253] : memref<16x8x64xf32, #tpu.memory_space<hbm>> -> memref<1x1x64xf32, #tpu.memory_space<hbm>>
    %dma_start3A_1255 = tpu.memref_squeeze %dma_start3A_1254 : memref<1x1x64xf32, #tpu.memory_space<hbm>> -> memref<64xf32, #tpu.memory_space<hbm>>
    %dma_start3A_1256 = arith.constant 0 : i32
    %dma_start3A_1257 = tpu.memref_slice %arg4[%add3A_1151, %select_n3A, %dma_start3A_1256] : memref<16x8x64xf32, #tpu.memory_space<hbm>> -> memref<1x1x64xf32, #tpu.memory_space<hbm>>
    %dma_start3A_1258 = tpu.memref_squeeze %dma_start3A_1257 : memref<1x1x64xf32, #tpu.memory_space<hbm>> -> memref<64xf32, #tpu.memory_space<hbm>>
    %dma_start3A_1259 = arith.constant 0 : i32
    %dma_start3A_1260 = tpu.memref_slice %arg7[%dma_start3A_1249, %dma_start3A_1259] : memref<8x64xf32, #tpu.memory_space<vmem>> -> memref<1x64xf32, #tpu.memory_space<vmem>>
    %dma_start3A_1261 = tpu.memref_squeeze %dma_start3A_1260 : memref<1x64xf32, #tpu.memory_space<vmem>> -> memref<64xf32, #tpu.memory_space<vmem>>
    tpu.enqueue_dma source(%dma_start3A_1261 : memref<64xf32, #tpu.memory_space<vmem>>) target(%dma_start3A_1258 : memref<64xf32, #tpu.memory_space<hbm>>) target_semaphore(%arg9 : memref<!tpu.dma_semaphore, #tpu.memory_space<semaphore_mem>>)
    %jit3A_1262 = arith.constant 16 : i32
    %eq3A_1263 = arith.constant 0 : i32
    %eq3A_1264 = arith.cmpi eq, %jit3A_1262, %eq3A_1263 : i32
    %jit3A_1265 = arith.constant 1 : i32
    %select_n3A_1266 = arith.select %eq3A_1264, %jit3A_1265, %jit3A_1262 : i32
    %rem3A_1267 = arith.remsi %mul3A_0, %select_n3A_1266 : i32
    %ne3A_1268 = arith.constant 0 : i32
    %ne3A_1269 = arith.cmpi ne, %rem3A_1267, %ne3A_1268 : i32
    %lt3A_1270 = arith.constant 0 : i32
    %lt3A_1271 = arith.cmpi slt, %rem3A_1267, %lt3A_1270 : i32
    %lt3A_1272 = arith.constant 0 : i32
    %lt3A_1273 = arith.cmpi slt, %select_n3A_1266, %lt3A_1272 : i32
    %ne3A_1274 = arith.xori %lt3A_1271, %lt3A_1273 : i1
    %and3A_1275 = arith.andi %ne3A_1274, %ne3A_1269 : i1
    %add3A_1276 = arith.addi %rem3A_1267, %select_n3A_1266 : i32
    %select_n3A_1277 = arith.select %and3A_1275, %add3A_1276, %rem3A_1267 : i32
    %add3A_1278 = arith.constant 7 : i32
    %add3A_1279 = arith.addi %select_n3A_1277, %add3A_1278 : i32
    %dma_wait3A_1280 = arith.constant 7 : i32
    %dma_wait3A_1281 = arith.constant 0 : i32
    %dma_wait3A_1282 = arith.constant 0 : i32
    %dma_wait3A_1283 = arith.constant 0 : i32
    %dma_wait3A_1284 = tpu.memref_slice %arg6[%dma_wait3A_1280, %dma_wait3A_1281, %dma_wait3A_1282, %dma_wait3A_1283] : memref<8x8x8x128xf32, #tpu.memory_space<vmem>> -> memref<1x8x8x128xf32, #tpu.memory_space<vmem>>
    %dma_wait3A_1285 = tpu.memref_squeeze %dma_wait3A_1284 : memref<1x8x8x128xf32, #tpu.memory_space<vmem>> -> memref<8x8x128xf32, #tpu.memory_space<vmem>>
    %dma_wait3A_1286 = arith.constant 0 : i32
    %dma_wait3A_1287 = arith.constant 0 : i32
    %dma_wait3A_1288 = arith.constant 0 : i32
    %dma_wait3A_1289 = tpu.memref_slice %arg2[%add3A_340, %dma_wait3A_1286, %shift_right_arithmetic3A_346, %dma_wait3A_1287, %dma_wait3A_1288] : memref<16x8x256x8x128xf32, #tpu.memory_space<hbm>> -> memref<1x8x1x8x128xf32, #tpu.memory_space<hbm>>
    %dma_wait3A_1290 = tpu.memref_squeeze %dma_wait3A_1289 : memref<1x8x1x8x128xf32, #tpu.memory_space<hbm>> -> memref<8x8x128xf32, #tpu.memory_space<hbm>>
    %dma_wait3A_1291 = arith.constant 0 : i32
    %dma_wait3A_1292 = arith.constant 0 : i32
    %dma_wait3A_1293 = arith.constant 0 : i32
    %dma_wait3A_1294 = tpu.memref_slice %arg6[%dma_wait3A_1280, %dma_wait3A_1291, %dma_wait3A_1292, %dma_wait3A_1293] : memref<8x8x8x128xf32, #tpu.memory_space<vmem>> -> memref<1x8x8x128xf32, #tpu.memory_space<vmem>>
    %dma_wait3A_1295 = tpu.memref_squeeze %dma_wait3A_1294 : memref<1x8x8x128xf32, #tpu.memory_space<vmem>> -> memref<8x8x128xf32, #tpu.memory_space<vmem>>
    %dma_wait3A_1296 = arith.constant 0 : i32
    %dma_wait3A_1297 = arith.constant 0 : i32
    %dma_wait3A_1298 = arith.constant 0 : i32
    %dma_wait3A_1299 = tpu.memref_slice %arg2[%add3A_340, %dma_wait3A_1296, %shift_right_arithmetic3A_346, %dma_wait3A_1297, %dma_wait3A_1298] : memref<16x8x256x8x128xf32, #tpu.memory_space<hbm>> -> memref<1x8x1x8x128xf32, #tpu.memory_space<hbm>>
    %dma_wait3A_1300 = tpu.memref_squeeze %dma_wait3A_1299 : memref<1x8x1x8x128xf32, #tpu.memory_space<hbm>> -> memref<8x8x128xf32, #tpu.memory_space<hbm>>
    tpu.wait_dma2 semaphore(%arg8 : memref<!tpu.dma_semaphore, #tpu.memory_space<semaphore_mem>>) src(%dma_wait3A_1300 : memref<8x8x128xf32, #tpu.memory_space<hbm>>) dst(%dma_wait3A_1295 : memref<8x8x128xf32, #tpu.memory_space<vmem>>)
    %add3A_1301 = arith.constant 0 : i32
    %add3A_1302 = vector.broadcast %add3A_1301 : i32 to vector<16xi32>
    %add3A_1303 = arith.addi %add3A_1302, %iota3A : vector<16xi32>
    %broadcast_in_dim3A_1304 = arith.constant 7 : i32
    %broadcast_in_dim3A_1305 = vector.broadcast %broadcast_in_dim3A_1304 : i32 to vector<16xi32>
    %shift_right_arithmetic3A_1306 = arith.constant 3 : i32
    %shift_right_arithmetic3A_1307 = vector.broadcast %shift_right_arithmetic3A_1306 : i32 to vector<16xi32>
    %shift_right_arithmetic3A_1308 = arith.shrsi %add3A_1303, %shift_right_arithmetic3A_1307 : vector<16xi32>
    %and3A_1309 = arith.constant 7 : i32
    %and3A_1310 = vector.broadcast %and3A_1309 : i32 to vector<16xi32>
    %and3A_1311 = arith.andi %add3A_1303, %and3A_1310 : vector<16xi32>
    %and3A_1312 = arith.constant 127 : i32
    %and3A_1313 = vector.broadcast %and3A_1312 : i32 to vector<16xi32>
    %and3A_1314 = arith.andi %gather3A_342, %and3A_1313 : vector<16xi32>
    %gather3A_1315 = tpu.vector_load_idx %arg6[%broadcast_in_dim3A_1305, %shift_right_arithmetic3A_1308, %and3A_1311, %and3A_1314] : memref<8x8x8x128xf32, #tpu.memory_space<vmem>>[vector<16xi32>, vector<16xi32>, vector<16xi32>, vector<16xi32>], vector<16xf32>,
    %swap3A_1316 = arith.constant 7 : i32
    %swap3A_1317 = arith.index_cast %swap3A_1316 : i32 to index
    %swap3A_1318 = arith.constant 0 : index
    %swap3A_1319 = tpu.vector_load %arg7[%swap3A_1317, %swap3A_1318] {strides = array<i32>} : memref<8x64xf32, #tpu.memory_space<vmem>>, vector<16xf32>,
    tpu.vector_store %arg7[%swap3A_1317, %swap3A_1318], %gather3A_1315 {strides = array<i32>} : memref<8x64xf32, #tpu.memory_space<vmem>>, vector<16xf32>,
    %add3A_1320 = arith.constant 16 : i32
    %add3A_1321 = vector.broadcast %add3A_1320 : i32 to vector<16xi32>
    %add3A_1322 = arith.addi %add3A_1321, %iota3A : vector<16xi32>
    %broadcast_in_dim3A_1323 = arith.constant 7 : i32
    %broadcast_in_dim3A_1324 = vector.broadcast %broadcast_in_dim3A_1323 : i32 to vector<16xi32>
    %shift_right_arithmetic3A_1325 = arith.constant 3 : i32
    %shift_right_arithmetic3A_1326 = vector.broadcast %shift_right_arithmetic3A_1325 : i32 to vector<16xi32>
    %shift_right_arithmetic3A_1327 = arith.shrsi %add3A_1322, %shift_right_arithmetic3A_1326 : vector<16xi32>
    %and3A_1328 = arith.constant 7 : i32
    %and3A_1329 = vector.broadcast %and3A_1328 : i32 to vector<16xi32>
    %and3A_1330 = arith.andi %add3A_1322, %and3A_1329 : vector<16xi32>
    %and3A_1331 = arith.constant 127 : i32
    %and3A_1332 = vector.broadcast %and3A_1331 : i32 to vector<16xi32>
    %and3A_1333 = arith.andi %gather3A_342, %and3A_1332 : vector<16xi32>
    %gather3A_1334 = tpu.vector_load_idx %arg6[%broadcast_in_dim3A_1324, %shift_right_arithmetic3A_1327, %and3A_1330, %and3A_1333] : memref<8x8x8x128xf32, #tpu.memory_space<vmem>>[vector<16xi32>, vector<16xi32>, vector<16xi32>, vector<16xi32>], vector<16xf32>,
    %swap3A_1335 = arith.constant 7 : i32
    %swap3A_1336 = arith.index_cast %swap3A_1335 : i32 to index
    %swap3A_1337 = arith.constant 16 : index
    %swap3A_1338 = tpu.vector_load %arg7[%swap3A_1336, %swap3A_1337] {strides = array<i32>} : memref<8x64xf32, #tpu.memory_space<vmem>>, vector<16xf32>,
    tpu.vector_store %arg7[%swap3A_1336, %swap3A_1337], %gather3A_1334 {strides = array<i32>} : memref<8x64xf32, #tpu.memory_space<vmem>>, vector<16xf32>,
    %add3A_1339 = arith.constant 32 : i32
    %add3A_1340 = vector.broadcast %add3A_1339 : i32 to vector<16xi32>
    %add3A_1341 = arith.addi %add3A_1340, %iota3A : vector<16xi32>
    %broadcast_in_dim3A_1342 = arith.constant 7 : i32
    %broadcast_in_dim3A_1343 = vector.broadcast %broadcast_in_dim3A_1342 : i32 to vector<16xi32>
    %shift_right_arithmetic3A_1344 = arith.constant 3 : i32
    %shift_right_arithmetic3A_1345 = vector.broadcast %shift_right_arithmetic3A_1344 : i32 to vector<16xi32>
    %shift_right_arithmetic3A_1346 = arith.shrsi %add3A_1341, %shift_right_arithmetic3A_1345 : vector<16xi32>
    %and3A_1347 = arith.constant 7 : i32
    %and3A_1348 = vector.broadcast %and3A_1347 : i32 to vector<16xi32>
    %and3A_1349 = arith.andi %add3A_1341, %and3A_1348 : vector<16xi32>
    %and3A_1350 = arith.constant 127 : i32
    %and3A_1351 = vector.broadcast %and3A_1350 : i32 to vector<16xi32>
    %and3A_1352 = arith.andi %gather3A_342, %and3A_1351 : vector<16xi32>
    %gather3A_1353 = tpu.vector_load_idx %arg6[%broadcast_in_dim3A_1343, %shift_right_arithmetic3A_1346, %and3A_1349, %and3A_1352] : memref<8x8x8x128xf32, #tpu.memory_space<vmem>>[vector<16xi32>, vector<16xi32>, vector<16xi32>, vector<16xi32>], vector<16xf32>,
    %swap3A_1354 = arith.constant 7 : i32
    %swap3A_1355 = arith.index_cast %swap3A_1354 : i32 to index
    %swap3A_1356 = arith.constant 32 : index
    %swap3A_1357 = tpu.vector_load %arg7[%swap3A_1355, %swap3A_1356] {strides = array<i32>} : memref<8x64xf32, #tpu.memory_space<vmem>>, vector<16xf32>,
    tpu.vector_store %arg7[%swap3A_1355, %swap3A_1356], %gather3A_1353 {strides = array<i32>} : memref<8x64xf32, #tpu.memory_space<vmem>>, vector<16xf32>,
    %add3A_1358 = arith.constant 48 : i32
    %add3A_1359 = vector.broadcast %add3A_1358 : i32 to vector<16xi32>
    %add3A_1360 = arith.addi %add3A_1359, %iota3A : vector<16xi32>
    %broadcast_in_dim3A_1361 = arith.constant 7 : i32
    %broadcast_in_dim3A_1362 = vector.broadcast %broadcast_in_dim3A_1361 : i32 to vector<16xi32>
    %shift_right_arithmetic3A_1363 = arith.constant 3 : i32
    %shift_right_arithmetic3A_1364 = vector.broadcast %shift_right_arithmetic3A_1363 : i32 to vector<16xi32>
    %shift_right_arithmetic3A_1365 = arith.shrsi %add3A_1360, %shift_right_arithmetic3A_1364 : vector<16xi32>
    %and3A_1366 = arith.constant 7 : i32
    %and3A_1367 = vector.broadcast %and3A_1366 : i32 to vector<16xi32>
    %and3A_1368 = arith.andi %add3A_1360, %and3A_1367 : vector<16xi32>
    %and3A_1369 = arith.constant 127 : i32
    %and3A_1370 = vector.broadcast %and3A_1369 : i32 to vector<16xi32>
    %and3A_1371 = arith.andi %gather3A_342, %and3A_1370 : vector<16xi32>
    %gather3A_1372 = tpu.vector_load_idx %arg6[%broadcast_in_dim3A_1362, %shift_right_arithmetic3A_1365, %and3A_1368, %and3A_1371] : memref<8x8x8x128xf32, #tpu.memory_space<vmem>>[vector<16xi32>, vector<16xi32>, vector<16xi32>, vector<16xi32>], vector<16xf32>,
    %swap3A_1373 = arith.constant 7 : i32
    %swap3A_1374 = arith.index_cast %swap3A_1373 : i32 to index
    %swap3A_1375 = arith.constant 48 : index
    %swap3A_1376 = tpu.vector_load %arg7[%swap3A_1374, %swap3A_1375] {strides = array<i32>} : memref<8x64xf32, #tpu.memory_space<vmem>>, vector<16xf32>,
    tpu.vector_store %arg7[%swap3A_1374, %swap3A_1375], %gather3A_1372 {strides = array<i32>} : memref<8x64xf32, #tpu.memory_space<vmem>>, vector<16xf32>,
    %dma_start3A_1377 = arith.constant 7 : i32
    %dma_start3A_1378 = arith.constant 0 : i32
    %dma_start3A_1379 = tpu.memref_slice %arg7[%dma_start3A_1377, %dma_start3A_1378] : memref<8x64xf32, #tpu.memory_space<vmem>> -> memref<1x64xf32, #tpu.memory_space<vmem>>
    %dma_start3A_1380 = tpu.memref_squeeze %dma_start3A_1379 : memref<1x64xf32, #tpu.memory_space<vmem>> -> memref<64xf32, #tpu.memory_space<vmem>>
    %dma_start3A_1381 = arith.constant 0 : i32
    %dma_start3A_1382 = tpu.memref_slice %arg4[%add3A_1279, %select_n3A, %dma_start3A_1381] : memref<16x8x64xf32, #tpu.memory_space<hbm>> -> memref<1x1x64xf32, #tpu.memory_space<hbm>>
    %dma_start3A_1383 = tpu.memref_squeeze %dma_start3A_1382 : memref<1x1x64xf32, #tpu.memory_space<hbm>> -> memref<64xf32, #tpu.memory_space<hbm>>
    %dma_start3A_1384 = arith.constant 0 : i32
    %dma_start3A_1385 = tpu.memref_slice %arg4[%add3A_1279, %select_n3A, %dma_start3A_1384] : memref<16x8x64xf32, #tpu.memory_space<hbm>> -> memref<1x1x64xf32, #tpu.memory_space<hbm>>
    %dma_start3A_1386 = tpu.memref_squeeze %dma_start3A_1385 : memref<1x1x64xf32, #tpu.memory_space<hbm>> -> memref<64xf32, #tpu.memory_space<hbm>>
    %dma_start3A_1387 = arith.constant 0 : i32
    %dma_start3A_1388 = tpu.memref_slice %arg7[%dma_start3A_1377, %dma_start3A_1387] : memref<8x64xf32, #tpu.memory_space<vmem>> -> memref<1x64xf32, #tpu.memory_space<vmem>>
    %dma_start3A_1389 = tpu.memref_squeeze %dma_start3A_1388 : memref<1x64xf32, #tpu.memory_space<vmem>> -> memref<64xf32, #tpu.memory_space<vmem>>
    tpu.enqueue_dma source(%dma_start3A_1389 : memref<64xf32, #tpu.memory_space<vmem>>) target(%dma_start3A_1386 : memref<64xf32, #tpu.memory_space<hbm>>) target_semaphore(%arg9 : memref<!tpu.dma_semaphore, #tpu.memory_space<semaphore_mem>>)
    %dma_wait3A_1390 = arith.constant 0 : i32
    %dma_wait3A_1391 = arith.constant 0 : i32
    %dma_wait3A_1392 = tpu.memref_slice %arg7[%dma_wait3A_1390, %dma_wait3A_1391] : memref<8x64xf32, #tpu.memory_space<vmem>> -> memref<1x64xf32, #tpu.memory_space<vmem>>
    %dma_wait3A_1393 = tpu.memref_squeeze %dma_wait3A_1392 : memref<1x64xf32, #tpu.memory_space<vmem>> -> memref<64xf32, #tpu.memory_space<vmem>>
    %dma_wait3A_1394 = arith.constant 0 : i32
    %dma_wait3A_1395 = tpu.memref_slice %arg4[%add3A_385, %select_n3A, %dma_wait3A_1394] : memref<16x8x64xf32, #tpu.memory_space<hbm>> -> memref<1x1x64xf32, #tpu.memory_space<hbm>>
    %dma_wait3A_1396 = tpu.memref_squeeze %dma_wait3A_1395 : memref<1x1x64xf32, #tpu.memory_space<hbm>> -> memref<64xf32, #tpu.memory_space<hbm>>
    %dma_wait3A_1397 = arith.constant 0 : i32
    %dma_wait3A_1398 = tpu.memref_slice %arg4[%add3A_385, %select_n3A, %dma_wait3A_1397] : memref<16x8x64xf32, #tpu.memory_space<hbm>> -> memref<1x1x64xf32, #tpu.memory_space<hbm>>
    %dma_wait3A_1399 = tpu.memref_squeeze %dma_wait3A_1398 : memref<1x1x64xf32, #tpu.memory_space<hbm>> -> memref<64xf32, #tpu.memory_space<hbm>>
    %dma_wait3A_1400 = arith.constant 0 : i32
    %dma_wait3A_1401 = tpu.memref_slice %arg7[%dma_wait3A_1390, %dma_wait3A_1400] : memref<8x64xf32, #tpu.memory_space<vmem>> -> memref<1x64xf32, #tpu.memory_space<vmem>>
    %dma_wait3A_1402 = tpu.memref_squeeze %dma_wait3A_1401 : memref<1x64xf32, #tpu.memory_space<vmem>> -> memref<64xf32, #tpu.memory_space<vmem>>
    tpu.wait_dma2 semaphore(%arg9 : memref<!tpu.dma_semaphore, #tpu.memory_space<semaphore_mem>>) src(%dma_wait3A_1402 : memref<64xf32, #tpu.memory_space<vmem>>) dst(%dma_wait3A_1399 : memref<64xf32, #tpu.memory_space<hbm>>)
    %dma_wait3A_1403 = arith.constant 1 : i32
    %dma_wait3A_1404 = arith.constant 0 : i32
    %dma_wait3A_1405 = tpu.memref_slice %arg7[%dma_wait3A_1403, %dma_wait3A_1404] : memref<8x64xf32, #tpu.memory_space<vmem>> -> memref<1x64xf32, #tpu.memory_space<vmem>>
    %dma_wait3A_1406 = tpu.memref_squeeze %dma_wait3A_1405 : memref<1x64xf32, #tpu.memory_space<vmem>> -> memref<64xf32, #tpu.memory_space<vmem>>
    %dma_wait3A_1407 = arith.constant 0 : i32
    %dma_wait3A_1408 = tpu.memref_slice %arg4[%add3A_511, %select_n3A, %dma_wait3A_1407] : memref<16x8x64xf32, #tpu.memory_space<hbm>> -> memref<1x1x64xf32, #tpu.memory_space<hbm>>
    %dma_wait3A_1409 = tpu.memref_squeeze %dma_wait3A_1408 : memref<1x1x64xf32, #tpu.memory_space<hbm>> -> memref<64xf32, #tpu.memory_space<hbm>>
    %dma_wait3A_1410 = arith.constant 0 : i32
    %dma_wait3A_1411 = tpu.memref_slice %arg4[%add3A_511, %select_n3A, %dma_wait3A_1410] : memref<16x8x64xf32, #tpu.memory_space<hbm>> -> memref<1x1x64xf32, #tpu.memory_space<hbm>>
    %dma_wait3A_1412 = tpu.memref_squeeze %dma_wait3A_1411 : memref<1x1x64xf32, #tpu.memory_space<hbm>> -> memref<64xf32, #tpu.memory_space<hbm>>
    %dma_wait3A_1413 = arith.constant 0 : i32
    %dma_wait3A_1414 = tpu.memref_slice %arg7[%dma_wait3A_1403, %dma_wait3A_1413] : memref<8x64xf32, #tpu.memory_space<vmem>> -> memref<1x64xf32, #tpu.memory_space<vmem>>
    %dma_wait3A_1415 = tpu.memref_squeeze %dma_wait3A_1414 : memref<1x64xf32, #tpu.memory_space<vmem>> -> memref<64xf32, #tpu.memory_space<vmem>>
    tpu.wait_dma2 semaphore(%arg9 : memref<!tpu.dma_semaphore, #tpu.memory_space<semaphore_mem>>) src(%dma_wait3A_1415 : memref<64xf32, #tpu.memory_space<vmem>>) dst(%dma_wait3A_1412 : memref<64xf32, #tpu.memory_space<hbm>>)
    %dma_wait3A_1416 = arith.constant 2 : i32
    %dma_wait3A_1417 = arith.constant 0 : i32
    %dma_wait3A_1418 = tpu.memref_slice %arg7[%dma_wait3A_1416, %dma_wait3A_1417] : memref<8x64xf32, #tpu.memory_space<vmem>> -> memref<1x64xf32, #tpu.memory_space<vmem>>
    %dma_wait3A_1419 = tpu.memref_squeeze %dma_wait3A_1418 : memref<1x64xf32, #tpu.memory_space<vmem>> -> memref<64xf32, #tpu.memory_space<vmem>>
    %dma_wait3A_1420 = arith.constant 0 : i32
    %dma_wait3A_1421 = tpu.memref_slice %arg4[%add3A_639, %select_n3A, %dma_wait3A_1420] : memref<16x8x64xf32, #tpu.memory_space<hbm>> -> memref<1x1x64xf32, #tpu.memory_space<hbm>>
    %dma_wait3A_1422 = tpu.memref_squeeze %dma_wait3A_1421 : memref<1x1x64xf32, #tpu.memory_space<hbm>> -> memref<64xf32, #tpu.memory_space<hbm>>
    %dma_wait3A_1423 = arith.constant 0 : i32
    %dma_wait3A_1424 = tpu.memref_slice %arg4[%add3A_639, %select_n3A, %dma_wait3A_1423] : memref<16x8x64xf32, #tpu.memory_space<hbm>> -> memref<1x1x64xf32, #tpu.memory_space<hbm>>
    %dma_wait3A_1425 = tpu.memref_squeeze %dma_wait3A_1424 : memref<1x1x64xf32, #tpu.memory_space<hbm>> -> memref<64xf32, #tpu.memory_space<hbm>>
    %dma_wait3A_1426 = arith.constant 0 : i32
    %dma_wait3A_1427 = tpu.memref_slice %arg7[%dma_wait3A_1416, %dma_wait3A_1426] : memref<8x64xf32, #tpu.memory_space<vmem>> -> memref<1x64xf32, #tpu.memory_space<vmem>>
    %dma_wait3A_1428 = tpu.memref_squeeze %dma_wait3A_1427 : memref<1x64xf32, #tpu.memory_space<vmem>> -> memref<64xf32, #tpu.memory_space<vmem>>
    tpu.wait_dma2 semaphore(%arg9 : memref<!tpu.dma_semaphore, #tpu.memory_space<semaphore_mem>>) src(%dma_wait3A_1428 : memref<64xf32, #tpu.memory_space<vmem>>) dst(%dma_wait3A_1425 : memref<64xf32, #tpu.memory_space<hbm>>)
    %dma_wait3A_1429 = arith.constant 3 : i32
    %dma_wait3A_1430 = arith.constant 0 : i32
    %dma_wait3A_1431 = tpu.memref_slice %arg7[%dma_wait3A_1429, %dma_wait3A_1430] : memref<8x64xf32, #tpu.memory_space<vmem>> -> memref<1x64xf32, #tpu.memory_space<vmem>>
    %dma_wait3A_1432 = tpu.memref_squeeze %dma_wait3A_1431 : memref<1x64xf32, #tpu.memory_space<vmem>> -> memref<64xf32, #tpu.memory_space<vmem>>
    %dma_wait3A_1433 = arith.constant 0 : i32
    %dma_wait3A_1434 = tpu.memref_slice %arg4[%add3A_767, %select_n3A, %dma_wait3A_1433] : memref<16x8x64xf32, #tpu.memory_space<hbm>> -> memref<1x1x64xf32, #tpu.memory_space<hbm>>
    %dma_wait3A_1435 = tpu.memref_squeeze %dma_wait3A_1434 : memref<1x1x64xf32, #tpu.memory_space<hbm>> -> memref<64xf32, #tpu.memory_space<hbm>>
    %dma_wait3A_1436 = arith.constant 0 : i32
    %dma_wait3A_1437 = tpu.memref_slice %arg4[%add3A_767, %select_n3A, %dma_wait3A_1436] : memref<16x8x64xf32, #tpu.memory_space<hbm>> -> memref<1x1x64xf32, #tpu.memory_space<hbm>>
    %dma_wait3A_1438 = tpu.memref_squeeze %dma_wait3A_1437 : memref<1x1x64xf32, #tpu.memory_space<hbm>> -> memref<64xf32, #tpu.memory_space<hbm>>
    %dma_wait3A_1439 = arith.constant 0 : i32
    %dma_wait3A_1440 = tpu.memref_slice %arg7[%dma_wait3A_1429, %dma_wait3A_1439] : memref<8x64xf32, #tpu.memory_space<vmem>> -> memref<1x64xf32, #tpu.memory_space<vmem>>
    %dma_wait3A_1441 = tpu.memref_squeeze %dma_wait3A_1440 : memref<1x64xf32, #tpu.memory_space<vmem>> -> memref<64xf32, #tpu.memory_space<vmem>>
    tpu.wait_dma2 semaphore(%arg9 : memref<!tpu.dma_semaphore, #tpu.memory_space<semaphore_mem>>) src(%dma_wait3A_1441 : memref<64xf32, #tpu.memory_space<vmem>>) dst(%dma_wait3A_1438 : memref<64xf32, #tpu.memory_space<hbm>>)
    %dma_wait3A_1442 = arith.constant 4 : i32
    %dma_wait3A_1443 = arith.constant 0 : i32
    %dma_wait3A_1444 = tpu.memref_slice %arg7[%dma_wait3A_1442, %dma_wait3A_1443] : memref<8x64xf32, #tpu.memory_space<vmem>> -> memref<1x64xf32, #tpu.memory_space<vmem>>
    %dma_wait3A_1445 = tpu.memref_squeeze %dma_wait3A_1444 : memref<1x64xf32, #tpu.memory_space<vmem>> -> memref<64xf32, #tpu.memory_space<vmem>>
    %dma_wait3A_1446 = arith.constant 0 : i32
    %dma_wait3A_1447 = tpu.memref_slice %arg4[%add3A_895, %select_n3A, %dma_wait3A_1446] : memref<16x8x64xf32, #tpu.memory_space<hbm>> -> memref<1x1x64xf32, #tpu.memory_space<hbm>>
    %dma_wait3A_1448 = tpu.memref_squeeze %dma_wait3A_1447 : memref<1x1x64xf32, #tpu.memory_space<hbm>> -> memref<64xf32, #tpu.memory_space<hbm>>
    %dma_wait3A_1449 = arith.constant 0 : i32
    %dma_wait3A_1450 = tpu.memref_slice %arg4[%add3A_895, %select_n3A, %dma_wait3A_1449] : memref<16x8x64xf32, #tpu.memory_space<hbm>> -> memref<1x1x64xf32, #tpu.memory_space<hbm>>
    %dma_wait3A_1451 = tpu.memref_squeeze %dma_wait3A_1450 : memref<1x1x64xf32, #tpu.memory_space<hbm>> -> memref<64xf32, #tpu.memory_space<hbm>>
    %dma_wait3A_1452 = arith.constant 0 : i32
    %dma_wait3A_1453 = tpu.memref_slice %arg7[%dma_wait3A_1442, %dma_wait3A_1452] : memref<8x64xf32, #tpu.memory_space<vmem>> -> memref<1x64xf32, #tpu.memory_space<vmem>>
    %dma_wait3A_1454 = tpu.memref_squeeze %dma_wait3A_1453 : memref<1x64xf32, #tpu.memory_space<vmem>> -> memref<64xf32, #tpu.memory_space<vmem>>
    tpu.wait_dma2 semaphore(%arg9 : memref<!tpu.dma_semaphore, #tpu.memory_space<semaphore_mem>>) src(%dma_wait3A_1454 : memref<64xf32, #tpu.memory_space<vmem>>) dst(%dma_wait3A_1451 : memref<64xf32, #tpu.memory_space<hbm>>)
    %dma_wait3A_1455 = arith.constant 5 : i32
    %dma_wait3A_1456 = arith.constant 0 : i32
    %dma_wait3A_1457 = tpu.memref_slice %arg7[%dma_wait3A_1455, %dma_wait3A_1456] : memref<8x64xf32, #tpu.memory_space<vmem>> -> memref<1x64xf32, #tpu.memory_space<vmem>>
    %dma_wait3A_1458 = tpu.memref_squeeze %dma_wait3A_1457 : memref<1x64xf32, #tpu.memory_space<vmem>> -> memref<64xf32, #tpu.memory_space<vmem>>
    %dma_wait3A_1459 = arith.constant 0 : i32
    %dma_wait3A_1460 = tpu.memref_slice %arg4[%add3A_1023, %select_n3A, %dma_wait3A_1459] : memref<16x8x64xf32, #tpu.memory_space<hbm>> -> memref<1x1x64xf32, #tpu.memory_space<hbm>>
    %dma_wait3A_1461 = tpu.memref_squeeze %dma_wait3A_1460 : memref<1x1x64xf32, #tpu.memory_space<hbm>> -> memref<64xf32, #tpu.memory_space<hbm>>
    %dma_wait3A_1462 = arith.constant 0 : i32
    %dma_wait3A_1463 = tpu.memref_slice %arg4[%add3A_1023, %select_n3A, %dma_wait3A_1462] : memref<16x8x64xf32, #tpu.memory_space<hbm>> -> memref<1x1x64xf32, #tpu.memory_space<hbm>>
    %dma_wait3A_1464 = tpu.memref_squeeze %dma_wait3A_1463 : memref<1x1x64xf32, #tpu.memory_space<hbm>> -> memref<64xf32, #tpu.memory_space<hbm>>
    %dma_wait3A_1465 = arith.constant 0 : i32
    %dma_wait3A_1466 = tpu.memref_slice %arg7[%dma_wait3A_1455, %dma_wait3A_1465] : memref<8x64xf32, #tpu.memory_space<vmem>> -> memref<1x64xf32, #tpu.memory_space<vmem>>
    %dma_wait3A_1467 = tpu.memref_squeeze %dma_wait3A_1466 : memref<1x64xf32, #tpu.memory_space<vmem>> -> memref<64xf32, #tpu.memory_space<vmem>>
    tpu.wait_dma2 semaphore(%arg9 : memref<!tpu.dma_semaphore, #tpu.memory_space<semaphore_mem>>) src(%dma_wait3A_1467 : memref<64xf32, #tpu.memory_space<vmem>>) dst(%dma_wait3A_1464 : memref<64xf32, #tpu.memory_space<hbm>>)
    %dma_wait3A_1468 = arith.constant 6 : i32
    %dma_wait3A_1469 = arith.constant 0 : i32
    %dma_wait3A_1470 = tpu.memref_slice %arg7[%dma_wait3A_1468, %dma_wait3A_1469] : memref<8x64xf32, #tpu.memory_space<vmem>> -> memref<1x64xf32, #tpu.memory_space<vmem>>
    %dma_wait3A_1471 = tpu.memref_squeeze %dma_wait3A_1470 : memref<1x64xf32, #tpu.memory_space<vmem>> -> memref<64xf32, #tpu.memory_space<vmem>>
    %dma_wait3A_1472 = arith.constant 0 : i32
    %dma_wait3A_1473 = tpu.memref_slice %arg4[%add3A_1151, %select_n3A, %dma_wait3A_1472] : memref<16x8x64xf32, #tpu.memory_space<hbm>> -> memref<1x1x64xf32, #tpu.memory_space<hbm>>
    %dma_wait3A_1474 = tpu.memref_squeeze %dma_wait3A_1473 : memref<1x1x64xf32, #tpu.memory_space<hbm>> -> memref<64xf32, #tpu.memory_space<hbm>>
    %dma_wait3A_1475 = arith.constant 0 : i32
    %dma_wait3A_1476 = tpu.memref_slice %arg4[%add3A_1151, %select_n3A, %dma_wait3A_1475] : memref<16x8x64xf32, #tpu.memory_space<hbm>> -> memref<1x1x64xf32, #tpu.memory_space<hbm>>
    %dma_wait3A_1477 = tpu.memref_squeeze %dma_wait3A_1476 : memref<1x1x64xf32, #tpu.memory_space<hbm>> -> memref<64xf32, #tpu.memory_space<hbm>>
    %dma_wait3A_1478 = arith.constant 0 : i32
    %dma_wait3A_1479 = tpu.memref_slice %arg7[%dma_wait3A_1468, %dma_wait3A_1478] : memref<8x64xf32, #tpu.memory_space<vmem>> -> memref<1x64xf32, #tpu.memory_space<vmem>>
    %dma_wait3A_1480 = tpu.memref_squeeze %dma_wait3A_1479 : memref<1x64xf32, #tpu.memory_space<vmem>> -> memref<64xf32, #tpu.memory_space<vmem>>
    tpu.wait_dma2 semaphore(%arg9 : memref<!tpu.dma_semaphore, #tpu.memory_space<semaphore_mem>>) src(%dma_wait3A_1480 : memref<64xf32, #tpu.memory_space<vmem>>) dst(%dma_wait3A_1477 : memref<64xf32, #tpu.memory_space<hbm>>)
    %dma_wait3A_1481 = arith.constant 7 : i32
    %dma_wait3A_1482 = arith.constant 0 : i32
    %dma_wait3A_1483 = tpu.memref_slice %arg7[%dma_wait3A_1481, %dma_wait3A_1482] : memref<8x64xf32, #tpu.memory_space<vmem>> -> memref<1x64xf32, #tpu.memory_space<vmem>>
    %dma_wait3A_1484 = tpu.memref_squeeze %dma_wait3A_1483 : memref<1x64xf32, #tpu.memory_space<vmem>> -> memref<64xf32, #tpu.memory_space<vmem>>
    %dma_wait3A_1485 = arith.constant 0 : i32
    %dma_wait3A_1486 = tpu.memref_slice %arg4[%add3A_1279, %select_n3A, %dma_wait3A_1485] : memref<16x8x64xf32, #tpu.memory_space<hbm>> -> memref<1x1x64xf32, #tpu.memory_space<hbm>>
    %dma_wait3A_1487 = tpu.memref_squeeze %dma_wait3A_1486 : memref<1x1x64xf32, #tpu.memory_space<hbm>> -> memref<64xf32, #tpu.memory_space<hbm>>
    %dma_wait3A_1488 = arith.constant 0 : i32
    %dma_wait3A_1489 = tpu.memref_slice %arg4[%add3A_1279, %select_n3A, %dma_wait3A_1488] : memref<16x8x64xf32, #tpu.memory_space<hbm>> -> memref<1x1x64xf32, #tpu.memory_space<hbm>>
    %dma_wait3A_1490 = tpu.memref_squeeze %dma_wait3A_1489 : memref<1x1x64xf32, #tpu.memory_space<hbm>> -> memref<64xf32, #tpu.memory_space<hbm>>
    %dma_wait3A_1491 = arith.constant 0 : i32
    %dma_wait3A_1492 = tpu.memref_slice %arg7[%dma_wait3A_1481, %dma_wait3A_1491] : memref<8x64xf32, #tpu.memory_space<vmem>> -> memref<1x64xf32, #tpu.memory_space<vmem>>
    %dma_wait3A_1493 = tpu.memref_squeeze %dma_wait3A_1492 : memref<1x64xf32, #tpu.memory_space<vmem>> -> memref<64xf32, #tpu.memory_space<vmem>>
    tpu.wait_dma2 semaphore(%arg9 : memref<!tpu.dma_semaphore, #tpu.memory_space<semaphore_mem>>) src(%dma_wait3A_1493 : memref<64xf32, #tpu.memory_space<vmem>>) dst(%dma_wait3A_1490 : memref<64xf32, #tpu.memory_space<hbm>>)
    return
  }
}

module attributes {stable_mosaic.version = 14 : i64} {
  func.func @_argmax_body(%arg0: i32, %arg1: memref<8x16x16384xf32, #tpu.memory_space<vmem>>, %arg2: memref<8x128xi32, #tpu.memory_space<vmem>>, %arg3: memref<8x16xf32, #tpu.memory_space<vmem>>, %arg4: memref<8x16xi32, #tpu.memory_space<vmem>>) attributes {dimension_semantics = [#tpu.dimension_semantics<arbitrary>], iteration_bounds = array<i64: 2>, scalar_prefetch = 0 : i64, scratch_operands = 2 : i64, tpu.core_type = #tpu.core_type<tc>, window_params = [{transform_indices = @transform_0, window_bounds = array<i64: 8, 16, 16384>}, {pipeline_mode = #tpu.pipeline_mode<synchronous>, transform_indices = @transform_1, window_bounds = array<i64: 8, 128>}]} {
    %get3A = arith.constant 0 : index
    %get3A_0 = arith.constant 0 : index
    %get3A_1 = arith.constant 0 : index
    %get3A_2 = vector.load %arg1[%get3A, %get3A_0, %get3A_1] : memref<8x16x16384xf32, #tpu.memory_space<vmem>>, vector<8x16x16384xf32>
    %mul3A = arith.constant 16384 : i32
    %mul3A_3 = arith.muli %arg0, %mul3A : i32
    %iota3A = tpu.iota {dimensions = array<i32: 2>} : vector<8x16x16384xi32>
    %add3A = vector.broadcast %mul3A_3 : i32 to vector<8x16x16384xi32>
    %add3A_4 = arith.addi %add3A, %iota3A : vector<8x16x16384xi32>
    %reduce_max3A = arith.constant dense<0xFF800000> : vector<8x16xf32>
    %reduce_max3A_5 = vector.multi_reduction <maximumf>, %get3A_2, %reduce_max3A [2] : vector<8x16x16384xf32> to vector<8x16xf32>
    %broadcast_in_dim3A = vector.shape_cast %reduce_max3A_5 : vector<8x16xf32> to vector<8x16x1xf32>
    %eq3A = vector.broadcast %broadcast_in_dim3A : vector<8x16x1xf32> to vector<8x16x16384xf32>
    %eq3A_6 = arith.cmpf oeq, %get3A_2, %eq3A : vector<8x16x16384xf32>
    %jit3A = arith.constant 1073741824 : i32
    %broadcast_in_dim3A_7 = vector.broadcast %jit3A : i32 to vector<8x16x16384xi32>
    %select_n3A = arith.select %eq3A_6, %add3A_4, %broadcast_in_dim3A_7 : vector<8x16x16384xi1>, vector<8x16x16384xi32>
    %reduce_min3A = arith.constant dense<2147483647> : vector<8x16xi32>
    %reduce_min3A_8 = vector.multi_reduction <minsi>, %select_n3A, %reduce_min3A [2] : vector<8x16x16384xi32> to vector<8x16xi32>
    %eq3A_9 = arith.constant 0 : i32
    %eq3A_10 = arith.cmpi eq, %arg0, %eq3A_9 : i32
    %convert_element_type3A = arith.extui %eq3A_10 : i1 to i32
    %cond3A = arith.constant 0 : i32
    %cond3A_11 = arith.cmpi ne, %convert_element_type3A, %cond3A : i32
    scf.if %cond3A_11 {
      %swap3A = arith.constant 0 : index
      %swap3A_21 = arith.constant 0 : index
      %swap3A_22 = vector.load %arg3[%swap3A, %swap3A_21] : memref<8x16xf32, #tpu.memory_space<vmem>>, vector<8x16xf32>
      tpu.vector_store %arg3[%swap3A, %swap3A_21], %reduce_max3A_5 {strides = array<i32>} : memref<8x16xf32, #tpu.memory_space<vmem>>, vector<8x16xf32>,
      %swap3A_23 = arith.constant 0 : index
      %swap3A_24 = arith.constant 0 : index
      %swap3A_25 = vector.load %arg4[%swap3A_23, %swap3A_24] : memref<8x16xi32, #tpu.memory_space<vmem>>, vector<8x16xi32>
      tpu.vector_store %arg4[%swap3A_23, %swap3A_24], %reduce_min3A_8 {strides = array<i32>} : memref<8x16xi32, #tpu.memory_space<vmem>>, vector<8x16xi32>,
    } else {
    }
    %gt3A = arith.constant 0 : i32
    %gt3A_12 = arith.cmpi sgt, %arg0, %gt3A : i32
    %convert_element_type3A_13 = arith.extui %gt3A_12 : i1 to i32
    %cond3A_14 = arith.constant 0 : i32
    %cond3A_15 = arith.cmpi ne, %convert_element_type3A_13, %cond3A_14 : i32
    scf.if %cond3A_15 {
      %get3A_21 = arith.constant 0 : index
      %get3A_22 = arith.constant 0 : index
      %get3A_23 = vector.load %arg3[%get3A_21, %get3A_22] : memref<8x16xf32, #tpu.memory_space<vmem>>, vector<8x16xf32>
      %gt3A_24 = arith.cmpf ogt, %reduce_max3A_5, %get3A_23 : vector<8x16xf32>
      %get3A_25 = arith.constant 0 : index
      %get3A_26 = arith.constant 0 : index
      %get3A_27 = vector.load %arg3[%get3A_25, %get3A_26] : memref<8x16xf32, #tpu.memory_space<vmem>>, vector<8x16xf32>
      %select_n3A_28 = arith.select %gt3A_24, %reduce_max3A_5, %get3A_27 : vector<8x16xi1>, vector<8x16xf32>
      %swap3A = arith.constant 0 : index
      %swap3A_29 = arith.constant 0 : index
      %swap3A_30 = vector.load %arg3[%swap3A, %swap3A_29] : memref<8x16xf32, #tpu.memory_space<vmem>>, vector<8x16xf32>
      tpu.vector_store %arg3[%swap3A, %swap3A_29], %select_n3A_28 {strides = array<i32>} : memref<8x16xf32, #tpu.memory_space<vmem>>, vector<8x16xf32>,
      %get3A_31 = arith.constant 0 : index
      %get3A_32 = arith.constant 0 : index
      %get3A_33 = vector.load %arg4[%get3A_31, %get3A_32] : memref<8x16xi32, #tpu.memory_space<vmem>>, vector<8x16xi32>
      %select_n3A_34 = arith.select %gt3A_24, %reduce_min3A_8, %get3A_33 : vector<8x16xi1>, vector<8x16xi32>
      %swap3A_35 = arith.constant 0 : index
      %swap3A_36 = arith.constant 0 : index
      %swap3A_37 = vector.load %arg4[%swap3A_35, %swap3A_36] : memref<8x16xi32, #tpu.memory_space<vmem>>, vector<8x16xi32>
      tpu.vector_store %arg4[%swap3A_35, %swap3A_36], %select_n3A_34 {strides = array<i32>} : memref<8x16xi32, #tpu.memory_space<vmem>>, vector<8x16xi32>,
    } else {
    }
    %eq3A_16 = arith.constant 1 : i32
    %eq3A_17 = arith.cmpi eq, %arg0, %eq3A_16 : i32
    %convert_element_type3A_18 = arith.extui %eq3A_17 : i1 to i32
    %cond3A_19 = arith.constant 0 : i32
    %cond3A_20 = arith.cmpi ne, %convert_element_type3A_18, %cond3A_19 : i32
    scf.if %cond3A_20 {
      %broadcast_in_dim3A_21 = arith.constant 0 : i32
      %broadcast_in_dim3A_22 = vector.broadcast %broadcast_in_dim3A_21 : i32 to vector<8x112xi32>
      %get3A_23 = arith.constant 0 : index
      %get3A_24 = arith.constant 0 : index
      %get3A_25 = vector.load %arg4[%get3A_23, %get3A_24] : memref<8x16xi32, #tpu.memory_space<vmem>>, vector<8x16xi32>
      %concatenate3A = tpu.concatenate %get3A_25, %broadcast_in_dim3A_22 in 1 : vector<8x16xi32>, vector<8x112xi32> -> vector<8x128xi32>
      %swap3A = arith.constant 0 : index
      %swap3A_26 = arith.constant 0 : index
      %swap3A_27 = vector.load %arg2[%swap3A, %swap3A_26] : memref<8x128xi32, #tpu.memory_space<vmem>>, vector<8x128xi32>
      tpu.vector_store %arg2[%swap3A, %swap3A_26], %concatenate3A {strides = array<i32>} : memref<8x128xi32, #tpu.memory_space<vmem>>, vector<8x128xi32>,
    } else {
    }
    return
  }
  func.func @transform_0(%arg0: i32) -> (i32, i32, i32) {
    %c0_i32 = arith.constant 0 : i32
    %c0_i32_0 = arith.constant 0 : i32
    %c0_i32_1 = arith.constant 0 : i32
    return %c0_i32, %c0_i32_0, %arg0 : i32, i32, i32
  }
  func.func @transform_1(%arg0: i32) -> (i32, i32) {
    %c0_i32 = arith.constant 0 : i32
    %c0_i32_0 = arith.constant 0 : i32
    %c0_i32_1 = arith.constant 0 : i32
    return %c0_i32, %c0_i32_0 : i32, i32
  }
}

</mosaic_0001>

<sc_bundles>
// kernel: kernel.4.cloned.1.call-start
scs
__scs_entry_jumppad:
0x0: {  	(pc) =	sbr.rel $0x88, $3  }
0x1: {  	(tag) =	ssettag $0x0;
	lr =	simm.s32 $0x1  }
0x2: {  	[smem:$0x3F9F] =	sst lr;
	_ =	strace $0xD0000000  }
0x3: {  	_ = 	snop  }
0x4: {  	_ = 	snop  }
0x5: {  	_ = 	snop  }
0x6: {  	_ = 	snop  }
0x7: {  	_ = 	snop  }
__scs_overlays_trampoline_lowered:
0x8: {  	[smem:$0x3FAE] =	sst s0  }
0x9: {  	[smem:$0x3FAF] =	sst s1  }
0xa: {  	[smem:$0x3FB0] =	sst s2  }
0xb: {  	[smem:$0x3FB1] =	sst s3  }
0xc: {  	[smem:$0x3FB2] =	sst s4  }
0xd: {  	[smem:$0x3FB3] =	sst s5  }
0xe: {  	[smem:$0x3FB4] =	sst s6  }
0xf: {  	[smem:$0x3FB5] =	sst s7  }
0x10: {  	[smem:$0x3FB6] =	sst s8  }
0x11: {  	[smem:$0x3FB7] =	sst s9;
	s0 =	simm.s32 @!p0 $0x0  }
0x12: {  	s1 =	sld [smem:$0x3F9D];
	s0 =	simm.s32 @p0 $0x1  }
0x13: {  	[smem:$0x3FB8] =	sst s0;
	s0 =	simm.s32 @!p1 $0x0  }
0x14: {  	s2 =	sld [smem:$0x3F9C];
	s0 =	simm.s32 @p1 $0x1  }
0x15: {  	[smem:$0x3FB9] =	sst s0;
	s0 =	simm.s32 @!p2 $0x0  }
0x16: {  	s3 =	sld [smem:$0x3FDB];
	s0 =	simm.s32 @p2 $0x1  }
0x17: {  	s4 =	simm.s32 $0x1BF5;
	[smem:$0x3FBB] =	sst s0  }
0x18: {  	s0 =	sld [smem:$0x3F9E];
	_ =	swait.ge [sflag:s4], $0x0  }
0x19: {  	s7 =	sld [smem:$0x3F9F]  }
0x1a: {  	s8 =	sadd.s32 $0xFFFFE003, lr  }
0x1b: {  	s9 =	sadd.s32 $0xFFFFFEF7, lr;
	s5 =	simm.s32 $0xFFFFFFFF;
	p2 =	slt.u32 s8, $0xFFFFF086  }
0x1c: {  	p1 =	slt.u32 s9, $0xF7A;
	s5 =	simm.s32 @!p2 $0x0  }
0x1d: {  	s5 =	simm.s32 @p1 $0x1;
	p0 =	seq.s32 s7, s2  }
0x1e: {  	s7 =	smul.u32 @!p0 $0xF7A, s2;
	p2 =	seq.s32 @!p0 s5, $0x0  }
0x1f: {  	s9 =	smul.u32 $0xF7A, s1;
	s8 =	simm.s32 @!p0 $0x1BF5;
	p2 =	por !p2, p0  }
0x20: {  	[sflag:s8] =	ssyncset.s32 @!p0 $0xFFFFF086;
	s6 =	sadd.s32 @!p0 s3, s7;
	s7 =	simm.s32 @!p0 $0x108  }
0x21: {  	s3 =	sadd.s32 s3, s9;
	s6 =	sadd.s32 @!p0 $0x88, s6;
	s7 =	simm.s32 @p2 $0x1082  }
0x22: {  	[simem:s7], [sflag:s8] =	dma.local @!p0 [hbm:s6], $0xF7A  }
0x23: {  	s9 =	sor.u32 $0xD0000000, s2;
	s6 =	simm.s32 $0x108;
	_ =	swait.ge @!p0 [sflag:s8], $0x0  }
0x24: {  	s3 =	sadd.s32 $0x88, s3;
	s6 =	simm.s32 @!p1 $0x1082;
	[sflag:s4] =	ssyncset.s32 $0xFFFFF086  }
0x25: {  	[simem:s6], [sflag:s4] =	dma.local [hbm:s3], $0xF7A  }
0x26: {  	[smem:$0x3F9F] =	sst s1;
	(tag) =	ssettag s2;
	_ =	strace s9  }
0x27: {  	s1 =	sld [smem:$0x3FAF]  }
0x28: {  	s2 =	sld [smem:$0x3FB0]  }
0x29: {  	s4 =	sld [smem:$0x3FB2]  }
0x2a: {  	p0 =	seq.s32 s5, $0x0;
	s5 =	sld [smem:$0x3FB3]  }
0x2b: {  	s6 =	sld [smem:$0x3FB4]  }
0x2c: {  	s7 =	sld [smem:$0x3FB5]  }
0x2d: {  	s3 =	simm.s32 $0x108;
	s8 =	sld [smem:$0x3FB6]  }
0x2e: {  	s3 =	simm.s32 @!p0 $0x1082;
	s9 =	sld [smem:$0x3FB7]  }
0x2f: {  	lr =	sadd.s32 s0, s3;
	s0 =	sld [smem:$0x3FAE]  }
0x30: {  	s3 =	sld [smem:$0x3FB1]  }
0x31: {  	[smem:$0x3FBA] =	sst s10  }
0x32: {  	s10 =	sld [smem:$0x3FB8];
	_ =	sdelay $0x3  }
0x33: {  	p0 =	seq.s32 s10, $0x1;
	s10 =	sld [smem:$0x3FBA];
	_ =	sdelay $0x3  }
0x34: {  	[smem:$0x3FBA] =	sst s10  }
0x35: {  	s10 =	sld [smem:$0x3FB9];
	_ =	sdelay $0x3  }
0x36: {  	p1 =	seq.s32 s10, $0x1;
	s10 =	sld [smem:$0x3FBA];
	_ =	sdelay $0x3  }
0x37: {  	[smem:$0x3FBA] =	sst s10  }
0x38: {  	s10 =	sld [smem:$0x3FBB]  }
0x39: {  	_ = 	snop;
	(pc) =	sbr.ind lr, $3  }
0x3a: {  	_ = 	snop  }
0x3b: {  	_ = 	snop  }
0x3c: {  	p2 =	seq.s32 s10, $0x1;
	s10 =	sld [smem:$0x3FBA]  }
0x3d: {  	_ =	shalt  }
0x3e: {  	_ =	shalt  }
0x3f: {  	_ =	shalt  }
0x40: {  	_ =	shalt  }
0x41: {  	_ =	shalt  }
0x42: {  	_ =	shalt  }
0x43: {  	_ =	shalt  }
0x44: {  	_ =	shalt  }
0x45: {  	_ =	shalt  }
0x46: {  	_ =	shalt  }
0x47: {  	_ =	shalt  }
0x48: {  	_ =	shalt  }
0x49: {  	_ =	shalt  }
0x4a: {  	_ =	shalt  }
0x4b: {  	_ =	shalt  }
0x4c: {  	_ =	shalt  }
0x4d: {  	_ =	shalt  }
0x4e: {  	_ =	shalt  }
0x4f: {  	_ =	shalt  }
0x50: {  	_ =	shalt  }
0x51: {  	_ =	shalt  }
0x52: {  	_ =	shalt  }
0x53: {  	_ =	shalt  }
0x54: {  	_ =	shalt  }
0x55: {  	_ =	shalt  }
0x56: {  	_ =	shalt  }
0x57: {  	_ =	shalt  }
0x58: {  	_ =	shalt  }
0x59: {  	_ =	shalt  }
0x5a: {  	_ =	shalt  }
0x5b: {  	_ =	shalt  }
0x5c: {  	_ =	shalt  }
0x5d: {  	_ =	shalt  }
0x5e: {  	_ =	shalt  }
0x5f: {  	_ =	shalt  }
0x60: {  	_ =	shalt  }
0x61: {  	_ =	shalt  }
0x62: {  	_ =	shalt  }
0x63: {  	_ =	shalt  }
0x64: {  	_ =	shalt  }
0x65: {  	_ =	shalt  }
0x66: {  	_ =	shalt  }
0x67: {  	_ =	shalt  }
0x68: {  	_ =	shalt  }
0x69: {  	_ =	shalt  }
0x6a: {  	_ =	shalt  }
0x6b: {  	_ =	shalt  }
0x6c: {  	_ =	shalt  }
0x6d: {  	_ =	shalt  }
0x6e: {  	_ =	shalt  }
0x6f: {  	_ =	shalt  }
0x70: {  	_ =	shalt  }
0x71: {  	_ =	shalt  }
0x72: {  	_ =	shalt  }
0x73: {  	_ =	shalt  }
0x74: {  	_ =	shalt  }
0x75: {  	_ =	shalt  }
0x76: {  	_ =	shalt  }
0x77: {  	_ =	shalt  }
0x78: {  	_ =	shalt  }
0x79: {  	_ =	shalt  }
0x7a: {  	_ =	shalt  }
0x7b: {  	_ =	shalt  }
0x7c: {  	_ =	shalt  }
0x7d: {  	_ =	shalt  }
0x7e: {  	_ =	shalt  }
0x7f: {  	_ =	shalt  }
0x80: {  	_ =	shalt  }
0x81: {  	_ =	shalt  }
0x82: {  	_ =	shalt  }
0x83: {  	_ =	shalt  }
0x84: {  	_ =	shalt  }
0x85: {  	_ =	shalt  }
0x86: {  	_ =	shalt  }
0x87: {  	_ =	shalt  }
.Lfunc_end0:
.L_simem_size_0:
called_computation_lowered:
.L_overlay_start_0:
0x88: {  	s0 =	sld [smem:$0x3FD9]  }
0x89: {  	s1 =	sld [smem:$0x3FFE];
	_ =	sdelay $0x3  }
0x8a: {  	s0 =	sadd.s32 s1, s0  }
0x8b: {  	[smem:$0x3FC6] =	sst s0  }
0x8c: {  	_ = 	snop  }
0x8d: {  	s0 =	sld [smem:$0x3FC9]  }
0x8e: {  	s16 =	sld [smem:$0x3FD0];
	(tm) =	ssettm $0x1  }
0x8f: {  	s2 =	sld [smem:$0x3FFB];
	_ =	sdelay $0x3  }
0x90: {  	_ =	strace s2  }
0x91: {  	s2 =	sld [smem:$0x3FFC];
	_ =	sdelay $0x3  }
0x92: {  	_ =	strace s2  }
0x93: {  	s2 =	sld [smem:$0x3FFD];
	_ =	sdelay $0x3  }
0x94: {  	_ =	strace s2  }
0x95: {  	_ =	strace $0x8FFFFFFF  }
0x96: {  	s17 =	sld [smem:$0x3FDB];
	_ =	sdelay $0x1  }
0x97: {  	s3 =	simm.s32 $_scs_section_size  }
0x98: {  	s4 =	simm.s32 $_size__tile_overlayer_lowered;
	s5 =	simm.s32 $_tile_overlayer_lowered  }
0x99: {  	s20 =	simm.s32 $0x1BFF;
	s19 =	sshll.u32 s5, $0x1;
	s2 =	sadd.s32 s3, s17  }
0x9a: {  	s6 =	simm.s32 $0x0;
	s18 =	sshll.u32 s4, $0x1;
	s4 =	sadd.s32 s19, s2  }
0x9b: {  	[timem:s6], [sflag:s20] =	dma.local [hbm:s4], s18  }
0x9c: {  	_ =	swait.ge [sflag:s20], s18  }
0x9d: {  	s3 =	ssub.s32 $0x0, s18;
	[sflag:s20] =	ssyncset.done $0x0  }
0x9e: {  	[sflag:s20] =	ssyncadd.s32 s3;
	_ =	sdelay $0x1  }
0x9f: {  	s21 =	simm.s32 $0x1B8B  }
0xa0: {  	_ =	swait.ge [sflag:s21], $0x1  }
0xa1: {  	[sflag:s21] =	ssyncset.done $0x0  }
0xa2: {  	s23 =	simm.s32 $0x1B8E;
	s22 =	sld [smem:$0x3FFE];
	[sflag:s21] =	ssyncadd.s32 $0xFFFFFFFF  }
0xa3: {  	s24 =	simm.s32 $execute0_lowered;
	[smem:$0x3FD2] =	sst s23  }
0xa4: {  	s4 =	sshll.u32 s24, $0x1;
	_ =	strace $0x80000046;
	[dreg:$0x1] =	wrdreg $0xFFFFFFFF  }
0xa5: {  	s25 =	simm.s32 $_size_execute0_lowered;
	s2 =	sadd.s32 s2, s4;
	[dreg:$0x0] =	wrdreg $0x0  }
0xa6: {  	s4 =	sshll.u32 s25, $0x1;
	[dreg:$0x2] =	wrdreg s2  }
0xa7: {  	[dreg:$0x3] =	wrdreg s4  }
0xa8: {  	[dreg:$0x4] =	wrdreg $0xC0  }
0xa9: {  	_ =	task [dreg:s6], $0x5FFFF  }
0xaa: {  	[dreg:$0x1] =	wrdreg $0xFFFFFFFF  }
0xab: {  	[dreg:$0x0] =	wrdreg $0x60  }
0xac: {  	[dreg:$0x2] =	wrdreg s0  }
0xad: {  	[dreg:$0x3] =	wrdreg s22  }
0xae: {  	[dreg:$0x4] =	wrdreg s16  }
0xaf: {  	[dreg:$0x5] =	wrdreg $0x9  }
0xb0: {  	_ =	task.clear_ibuf [dreg:s6], $0x6FFFF;
	_ =	strace $0x90000046  }
0xb1: {  	s26 =	simm.s32 $0x9;
	_ =	strace $0x80000048  }
0xb2: {  	_ =	swait.ge [sflag:s26], $0x1  }
0xb3: {  	[sflag:s26] =	ssyncadd.s32 $0xFFFFFFFF  }
0xb4: {  	_ =	strace $0x90000048  }
0xb5: {  	_ =	sfence  }
0xb6: {  	s28 =	sld [smem:$0x0];
	_ =	sdelay $0x1  }
0xb7: {  	s29 =	srdreg.scid  }
0xb8: {  	s30 =	sshll.u32 s29, $0xD;
	s31 =	sshrl.u32 s29, $0x2  }
0xb9: {  	s1 =	sand.u32 $0x1, s29;
	s2 =	sand.u32 $0x4000, s30;
	s0 =	sadd.s32 s31, s28  }
0xba: {  	s1 =	sor.u32 s2, s1;
	s0 =	sshll.u32 s0, $0x11  }
0xbb: {  	s0 =	sor.u32 s0, s1  }
0xbc: {  	s0 =	sadd.s32 $0x8F2B, s0  }
0xbd: {  	[sflag:s0] =	ssyncadd.remote.s32 $0x1  }
0xbe: {  	_ =	sfence.sel $0xFFFF  }
0xbf: {  	[dreg:$0x0] =	wrdreg $0xFFFFFFFF;
	(pc) =	sbr.abs _section_cstart, $3  }
0xc0: {  	[dreg:$0x1] =	wrdreg $0xFFFFFFFF  }
0xc1: {  	_ =	task.clear_ibuf [dreg:s6], $0x2FFFF;
	_ =	strace $0x9FFFFFFF  }
0xc2: {  	(tm) =	ssettm $0x7FFFFFFF  }
0xc3: {  	_ =	shalt  }
tec
execute0_lowered:
.L_overlay_start_1:
0x0: {  	(tag) =	ssettag $0x1  }
0x1: {  	s10 =	rddreg [dreg:$0x0];
	s0 =	stileid.u32  }
0x2: {  	s5 =	rddreg [dreg:$0x1];
	s1 =	sshll.u32 s0, $0x6  }
0x3: {  	s2 =	rddreg [dreg:$0x2];
	s3 =	simm.s32 $0x0;
	s4 =	sand.u32 $0x380, s1  }
0x4: {  	s29 =	simm.s32 $0x3;
	s28 =	sshll.u32 s0, $0x3;
	s6 =	sshrl.u32 s4, $0x3  }
0x5: {  	[smem:$0x7FF] =	sst s3;
	s14 =	sand.u32 $0x8, s28;
	s5 =	sadd.s32 s6, s5  }
0x6: {  	s1 =	rddreg [dreg:$0x3];
	_ =	strace $0x80000047;
	v0 =	vmov s14;
	s5 =	sadd.s32 $0x800, s5  }
0x7: {  	[tilespmem:s3], [sflag:$0x3] =	stream.linear.gather [hbm4b:s5+s3], $0x10, $0x38;
	[tilespmem:$0x10480] =	vst v63  }
0x8: {  	_ =	swait.ge [sflag:s29], $0x10  }
0x9: {  	[sflag:s29] =	ssyncset.done $0x0  }
0xa: {  	[sflag:s29] =	ssyncadd.s32 $0xFFFFFFF0  }
0xb: {  	v6 =	vld.idx.msk [tilespmem:v0+s3+$0x0], $0xffff;
	_ =	sdelay $0x4  }
0xc: {  	(v2sf) =	vpush v6, $0x0;
	_ =	sdelay $0xe  }
0xd: {  	s30 =	spop (v2sf)  }
0xe: {  	s13 =	sor.u32 $0x1, s14;
	s5 =	sshll.u32 s30, $0x3  }
0xf: {  	s6 =	sshll.u32 s14, $0x15;
	v19 =	vmov s13;
	s5 =	sand.u32 $0xFFFFFC00, s5  }
0x10: {  	s5 =	sadd.s32 s6, s5  }
0x11: {  	s15 =	simm.s32 $0x400;
	s5 =	sshrl.u32 s5, $0x3  }
0x12: {  	s16 =	simm.s32 $0x40000;
	s31 =	sadd.s32 s10, s5;
	s5 =	simm.s32 $0x80  }
0x13: {  	[tilespmem:s5], [sflag:$0x1] =	stream.strided.gather [hbm4b:s31+s15], $0x2000, s16, s15, $0x38;
	[tilespmem:$0x10480] =	vst v63  }
0x14: {  	v7 =	vld.idx.msk [tilespmem:v19+s3+$0x0], $0xffff;
	_ =	sdelay $0x4  }
0x15: {  	(v2sf) =	vpush v7, $0x0;
	_ =	sdelay $0xe  }
0x16: {  	s7 =	spop (v2sf)  }
0x17: {  	s12 =	sor.u32 $0x2, s14;
	s6 =	sshll.u32 s7, $0x3  }
0x18: {  	v20 =	vmov s12;
	s7 =	sshll.u32 s13, $0x15;
	s6 =	sand.u32 $0xFFFFFC00, s6  }
0x19: {  	s6 =	sadd.s32 s7, s6  }
0x1a: {  	s6 =	sshrl.u32 s6, $0x3  }
0x1b: {  	s8 =	simm.s32 $0x2080;
	s6 =	sadd.s32 s10, s6  }
0x1c: {  	[tilespmem:s8], [sflag:$0x1] =	stream.strided.gather [hbm4b:s6+s15], $0x2000, s16, s15, $0x38;
	[tilespmem:$0x10480] =	vst v63  }
0x1d: {  	v8 =	vld.idx.msk [tilespmem:v20+s3+$0x0], $0xffff;
	_ =	sdelay $0x4  }
0x1e: {  	(v2sf) =	vpush v8, $0x0;
	_ =	sdelay $0xe  }
0x1f: {  	s9 =	spop (v2sf)  }
0x20: {  	s11 =	sor.u32 $0x3, s14;
	s6 =	sshll.u32 s9, $0x3  }
0x21: {  	s17 =	sshll.u32 s12, $0x15;
	v21 =	vmov s11;
	s6 =	sand.u32 $0xFFFFFC00, s6  }
0x22: {  	s6 =	sadd.s32 s17, s6  }
0x23: {  	s6 =	sshrl.u32 s6, $0x3  }
0x24: {  	s18 =	simm.s32 $0x4080;
	s6 =	sadd.s32 s10, s6  }
0x25: {  	[tilespmem:s18], [sflag:$0x1] =	stream.strided.gather [hbm4b:s6+s15], $0x2000, s16, s15, $0x38;
	[tilespmem:$0x10480] =	vst v63  }
0x26: {  	v5 =	vld.idx.msk [tilespmem:v21+s3+$0x0], $0xffff;
	_ =	sdelay $0x4  }
0x27: {  	(v2sf) =	vpush v5, $0x0;
	_ =	sdelay $0xe  }
0x28: {  	s19 =	spop (v2sf)  }
0x29: {  	s9 =	sor.u32 $0x4, s14;
	s6 =	sshll.u32 s19, $0x3  }
0x2a: {  	s20 =	sshll.u32 s11, $0x15;
	v22 =	vmov s9;
	s6 =	sand.u32 $0xFFFFFC00, s6  }
0x2b: {  	s6 =	sadd.s32 s20, s6  }
0x2c: {  	s6 =	sshrl.u32 s6, $0x3  }
0x2d: {  	s21 =	simm.s32 $0x6080;
	s6 =	sadd.s32 s10, s6  }
0x2e: {  	[tilespmem:s21], [sflag:$0x1] =	stream.strided.gather [hbm4b:s6+s15], $0x2000, s16, s15, $0x38;
	[tilespmem:$0x10480] =	vst v63  }
0x2f: {  	v4 =	vld.idx.msk [tilespmem:v22+s3+$0x0], $0xffff;
	_ =	sdelay $0x4  }
0x30: {  	(v2sf) =	vpush v4, $0x0;
	_ =	sdelay $0xe  }
0x31: {  	s22 =	spop (v2sf)  }
0x32: {  	s8 =	sor.u32 $0x5, s14;
	s6 =	sshll.u32 s22, $0x3  }
0x33: {  	v23 =	vmov s8;
	s23 =	sshll.u32 s9, $0x15;
	s6 =	sand.u32 $0xFFFFFC00, s6  }
0x34: {  	s6 =	sadd.s32 s23, s6  }
0x35: {  	s6 =	sshrl.u32 s6, $0x3  }
0x36: {  	s24 =	simm.s32 $0x8080;
	s6 =	sadd.s32 s10, s6  }
0x37: {  	[tilespmem:s24], [sflag:$0x1] =	stream.strided.gather [hbm4b:s6+s15], $0x2000, s16, s15, $0x38;
	[tilespmem:$0x10480] =	vst v63  }
0x38: {  	v3 =	vld.idx.msk [tilespmem:v23+s3+$0x0], $0xffff;
	_ =	sdelay $0x4  }
0x39: {  	(v2sf) =	vpush v3, $0x0;
	_ =	sdelay $0xe  }
0x3a: {  	s25 =	spop (v2sf)  }
0x3b: {  	s7 =	sor.u32 $0x6, s14;
	s6 =	sshll.u32 s25, $0x3  }
0x3c: {  	v24 =	vmov s7;
	s17 =	sshll.u32 s8, $0x15;
	s6 =	sand.u32 $0xFFFFFC00, s6  }
0x3d: {  	s6 =	sadd.s32 s17, s6  }
0x3e: {  	s6 =	sshrl.u32 s6, $0x3  }
0x3f: {  	s26 =	simm.s32 $0xA080;
	s6 =	sadd.s32 s10, s6  }
0x40: {  	[tilespmem:s26], [sflag:$0x1] =	stream.strided.gather [hbm4b:s6+s15], $0x2000, s16, s15, $0x38;
	[tilespmem:$0x10480] =	vst v63  }
0x41: {  	v2 =	vld.idx.msk [tilespmem:v24+s3+$0x0], $0xffff;
	_ =	sdelay $0x4  }
0x42: {  	(v2sf) =	vpush v2, $0x0;
	_ =	sdelay $0xe  }
0x43: {  	s28 =	spop (v2sf)  }
0x44: {  	s6 =	sor.u32 $0x7, s14;
	s17 =	sshll.u32 s28, $0x3  }
0x45: {  	s18 =	sshll.u32 s7, $0x15;
	v25 =	vmov s6;
	s17 =	sand.u32 $0xFFFFFC00, s17  }
0x46: {  	s17 =	sadd.s32 s18, s17  }
0x47: {  	s17 =	sshrl.u32 s17, $0x3  }
0x48: {  	s29 =	simm.s32 $0xC080;
	s17 =	sadd.s32 s10, s17  }
0x49: {  	[tilespmem:s29], [sflag:$0x1] =	stream.strided.gather [hbm4b:s17+s15], $0x2000, s16, s15, $0x38;
	[tilespmem:$0x10480] =	vst v63  }
0x4a: {  	v1 =	vld.idx.msk [tilespmem:v25+s3+$0x0], $0xffff;
	_ =	sdelay $0x4  }
0x4b: {  	(v2sf) =	vpush v1, $0x0;
	_ =	sdelay $0xe  }
0x4c: {  	s30 =	spop (v2sf)  }
0x4d: {  	s17 =	sshll.u32 s30, $0x3  }
0x4e: {  	v26 =	vlaneseq.u32;
	s31 =	sshll.u32 s6, $0x15;
	s17 =	sand.u32 $0xFFFFFC00, s17  }
0x4f: {  	v0 =	vmul.u32 $0x80, v26;
	s17 =	sadd.s32 s31, s17  }
0x50: {  	v6 =	vand.u32 $0x7F, v6;
	s17 =	sshrl.u32 s17, $0x3  }
0x51: {  	v9 =	vor.u32 v0, v6;
	s19 =	simm.s32 $0xE080;
	s20 =	simm.s32 $0x1;
	s10 =	sadd.s32 s10, s17  }
0x52: {  	[tilespmem:s19], [sflag:$0x1] =	stream.strided.gather [hbm4b:s10+s15], $0x2000, s16, s15, $0x38;
	[tilespmem:$0x10480] =	vst v63  }
0x53: {  	_ =	swait.ge [sflag:s20], $0x2000  }
0x54: {  	[sflag:s20] =	ssyncset.done $0x0  }
0x55: {  	[sflag:s20] =	ssyncadd.s32 $0xFFFFE000  }
0x56: {  	v10 =	vor.u32 $0x800, v0;
	v9 =	vld.idx.msk [tilespmem:v9+s5+$0x0], $0xffff  }
0x57: {  	v10 =	vor.u32 v10, v6;
	_ =	sdelay $0x3  }
0x58: {  	[tilespmem:$0x10080] =	vst v9  }
0x59: {  	v27 =	vor.u32 $0x1000, v0;
	v9 =	vld.idx.msk [tilespmem:v10+s5+$0x0], $0xffff  }
0x5a: {  	v10 =	vor.u32 v27, v6;
	_ =	sdelay $0x3  }
0x5b: {  	[tilespmem:$0x10090] =	vst v9  }
0x5c: {  	v28 =	vor.u32 $0x1800, v0;
	v9 =	vld.idx.msk [tilespmem:v10+s5+$0x0], $0xffff  }
0x5d: {  	v6 =	vor.u32 v28, v6;
	_ =	sdelay $0x3  }
0x5e: {  	[tilespmem:$0x100A0] =	vst v9  }
0x5f: {  	v6 =	vld.idx.msk [tilespmem:v6+s5+$0x0], $0xffff;
	_ =	sdelay $0x1  }
0x60: {  	s14 =	sshll.u32 s14, $0xA  }
0x61: {  	s14 =	sor.u32 s4, s14  }
0x62: {  	v29 =	vor.u32 $0x2000, v0;
	v7 =	vand.u32 $0x7F, v7;
	s14 =	sshrl.u32 s14, $0x3  }
0x63: {  	v30 =	vor.u32 v29, v7;
	s21 =	simm.s32 $0x10080;
	s14 =	sadd.s32 s2, s14;
	[tilespmem:$0x100B0] =	vst v6  }
0x64: {  	[hbm4b:s14+s3] =	stream.linear.scatter [tilespmem:s21], [sflag:$0x2], $0x80, $0x38;
	[tilespmem:$0x10480] =	vst v63  }
0x65: {  	_ =	swait.ge [sflag:s20], $0x2000  }
0x66: {  	[sflag:s20] =	ssyncset.done $0x0  }
0x67: {  	[sflag:s20] =	ssyncadd.s32 $0xFFFFE000  }
0x68: {  	v31 =	vor.u32 $0x2800, v0;
	v6 =	vld.idx.msk [tilespmem:v30+s5+$0x0], $0xffff  }
0x69: {  	v9 =	vor.u32 v31, v7;
	_ =	sdelay $0x3  }
0x6a: {  	[tilespmem:$0x10100] =	vst v6  }
0x6b: {  	v32 =	vor.u32 $0x3000, v0;
	v6 =	vld.idx.msk [tilespmem:v9+s5+$0x0], $0xffff  }
0x6c: {  	v9 =	vor.u32 v32, v7;
	_ =	sdelay $0x3  }
0x6d: {  	[tilespmem:$0x10110] =	vst v6  }
0x6e: {  	v33 =	vor.u32 $0x3800, v0;
	v6 =	vld.idx.msk [tilespmem:v9+s5+$0x0], $0xffff  }
0x6f: {  	v7 =	vor.u32 v33, v7;
	_ =	sdelay $0x3  }
0x70: {  	[tilespmem:$0x10120] =	vst v6  }
0x71: {  	v6 =	vld.idx.msk [tilespmem:v7+s5+$0x0], $0xffff;
	_ =	sdelay $0x1  }
0x72: {  	s13 =	sshll.u32 s13, $0xA  }
0x73: {  	s13 =	sor.u32 s4, s13  }
0x74: {  	v35 =	vor.u32 $0x4000, v0;
	s13 =	sshrl.u32 s13, $0x3;
	v34 =	vand.u32 $0x7F, v8  }
0x75: {  	s13 =	sadd.s32 s2, s13;
	v36 =	vor.u32 v35, v34;
	s22 =	simm.s32 $0x10100;
	[tilespmem:$0x10130] =	vst v6  }
0x76: {  	[hbm4b:s13+s3] =	stream.linear.scatter [tilespmem:s22], [sflag:$0x2], $0x80, $0x38;
	[tilespmem:$0x10480] =	vst v63  }
0x77: {  	_ =	swait.ge [sflag:s20], $0x2000  }
0x78: {  	[sflag:s20] =	ssyncset.done $0x0  }
0x79: {  	[sflag:s20] =	ssyncadd.s32 $0xFFFFE000  }
0x7a: {  	v37 =	vor.u32 $0x4800, v0;
	v6 =	vld.idx.msk [tilespmem:v36+s5+$0x0], $0xffff  }
0x7b: {  	v8 =	vor.u32 v37, v34;
	_ =	sdelay $0x3  }
0x7c: {  	[tilespmem:$0x10180] =	vst v6  }
0x7d: {  	v38 =	vor.u32 $0x5000, v0;
	v6 =	vld.idx.msk [tilespmem:v8+s5+$0x0], $0xffff  }
0x7e: {  	v8 =	vor.u32 v38, v34;
	_ =	sdelay $0x3  }
0x7f: {  	[tilespmem:$0x10190] =	vst v6  }
0x80: {  	v39 =	vor.u32 $0x5800, v0;
	v6 =	vld.idx.msk [tilespmem:v8+s5+$0x0], $0xffff  }
0x81: {  	v7 =	vor.u32 v39, v34;
	_ =	sdelay $0x3  }
0x82: {  	[tilespmem:$0x101A0] =	vst v6  }
0x83: {  	v6 =	vld.idx.msk [tilespmem:v7+s5+$0x0], $0xffff;
	_ =	sdelay $0x1  }
0x84: {  	s12 =	sshll.u32 s12, $0xA  }
0x85: {  	s12 =	sor.u32 s4, s12  }
0x86: {  	s12 =	sshrl.u32 s12, $0x3;
	v40 =	vor.u32 $0x6000, v0;
	v5 =	vand.u32 $0x7F, v5  }
0x87: {  	s12 =	sadd.s32 s2, s12;
	v41 =	vor.u32 v40, v5;
	s23 =	simm.s32 $0x10180;
	[tilespmem:$0x101B0] =	vst v6  }
0x88: {  	[hbm4b:s12+s3] =	stream.linear.scatter [tilespmem:s23], [sflag:$0x2], $0x80, $0x38;
	[tilespmem:$0x10480] =	vst v63  }
0x89: {  	_ =	swait.ge [sflag:s20], $0x2000  }
0x8a: {  	[sflag:s20] =	ssyncset.done $0x0  }
0x8b: {  	[sflag:s20] =	ssyncadd.s32 $0xFFFFE000  }
0x8c: {  	v42 =	vor.u32 $0x6800, v0;
	v6 =	vld.idx.msk [tilespmem:v41+s5+$0x0], $0xffff  }
0x8d: {  	v7 =	vor.u32 v42, v5;
	_ =	sdelay $0x3  }
0x8e: {  	[tilespmem:$0x10200] =	vst v6  }
0x8f: {  	v43 =	vor.u32 $0x7000, v0;
	v6 =	vld.idx.msk [tilespmem:v7+s5+$0x0], $0xffff  }
0x90: {  	v7 =	vor.u32 v43, v5;
	_ =	sdelay $0x3  }
0x91: {  	[tilespmem:$0x10210] =	vst v6  }
0x92: {  	v44 =	vor.u32 $0x7800, v0;
	v6 =	vld.idx.msk [tilespmem:v7+s5+$0x0], $0xffff  }
0x93: {  	v5 =	vor.u32 v44, v5;
	_ =	sdelay $0x3  }
0x94: {  	[tilespmem:$0x10220] =	vst v6  }
0x95: {  	v5 =	vld.idx.msk [tilespmem:v5+s5+$0x0], $0xffff;
	_ =	sdelay $0x1  }
0x96: {  	s11 =	sshll.u32 s11, $0xA  }
0x97: {  	s11 =	sor.u32 s4, s11  }
0x98: {  	s11 =	sshrl.u32 s11, $0x3;
	v45 =	vor.u32 $0x8000, v0;
	v4 =	vand.u32 $0x7F, v4  }
0x99: {  	s11 =	sadd.s32 s2, s11;
	v46 =	vor.u32 v45, v4;
	s24 =	simm.s32 $0x10200;
	[tilespmem:$0x10230] =	vst v5  }
0x9a: {  	[hbm4b:s11+s3] =	stream.linear.scatter [tilespmem:s24], [sflag:$0x2], $0x80, $0x38;
	[tilespmem:$0x10480] =	vst v63  }
0x9b: {  	_ =	swait.ge [sflag:s20], $0x2000  }
0x9c: {  	[sflag:s20] =	ssyncset.done $0x0  }
0x9d: {  	[sflag:s20] =	ssyncadd.s32 $0xFFFFE000  }
0x9e: {  	v47 =	vor.u32 $0x8800, v0;
	v5 =	vld.idx.msk [tilespmem:v46+s5+$0x0], $0xffff  }
0x9f: {  	v6 =	vor.u32 v47, v4;
	_ =	sdelay $0x3  }
0xa0: {  	[tilespmem:$0x10280] =	vst v5  }
0xa1: {  	v48 =	vor.u32 $0x9000, v0;
	v5 =	vld.idx.msk [tilespmem:v6+s5+$0x0], $0xffff  }
0xa2: {  	v6 =	vor.u32 v48, v4;
	_ =	sdelay $0x3  }
0xa3: {  	[tilespmem:$0x10290] =	vst v5  }
0xa4: {  	v49 =	vor.u32 $0x9800, v0;
	v5 =	vld.idx.msk [tilespmem:v6+s5+$0x0], $0xffff  }
0xa5: {  	v4 =	vor.u32 v49, v4;
	_ =	sdelay $0x3  }
0xa6: {  	[tilespmem:$0x102A0] =	vst v5  }
0xa7: {  	v4 =	vld.idx.msk [tilespmem:v4+s5+$0x0], $0xffff;
	_ =	sdelay $0x1  }
0xa8: {  	s9 =	sshll.u32 s9, $0xA  }
0xa9: {  	s9 =	sor.u32 s4, s9  }
0xaa: {  	v50 =	vor.u32 $0xA000, v0;
	s9 =	sshrl.u32 s9, $0x3;
	v3 =	vand.u32 $0x7F, v3  }
0xab: {  	s9 =	sadd.s32 s2, s9;
	v51 =	vor.u32 v50, v3;
	s25 =	simm.s32 $0x10280;
	[tilespmem:$0x102B0] =	vst v4  }
0xac: {  	[hbm4b:s9+s3] =	stream.linear.scatter [tilespmem:s25], [sflag:$0x2], $0x80, $0x38;
	[tilespmem:$0x10480] =	vst v63  }
0xad: {  	_ =	swait.ge [sflag:s20], $0x2000  }
0xae: {  	[sflag:s20] =	ssyncset.done $0x0  }
0xaf: {  	[sflag:s20] =	ssyncadd.s32 $0xFFFFE000  }
0xb0: {  	v52 =	vor.u32 $0xA800, v0;
	v4 =	vld.idx.msk [tilespmem:v51+s5+$0x0], $0xffff  }
0xb1: {  	v5 =	vor.u32 v52, v3;
	_ =	sdelay $0x3  }
0xb2: {  	[tilespmem:$0x10300] =	vst v4  }
0xb3: {  	v53 =	vor.u32 $0xB000, v0;
	v4 =	vld.idx.msk [tilespmem:v5+s5+$0x0], $0xffff  }
0xb4: {  	v5 =	vor.u32 v53, v3;
	_ =	sdelay $0x3  }
0xb5: {  	[tilespmem:$0x10310] =	vst v4  }
0xb6: {  	v54 =	vor.u32 $0xB800, v0;
	v4 =	vld.idx.msk [tilespmem:v5+s5+$0x0], $0xffff  }
0xb7: {  	v3 =	vor.u32 v54, v3;
	_ =	sdelay $0x3  }
0xb8: {  	[tilespmem:$0x10320] =	vst v4  }
0xb9: {  	v3 =	vld.idx.msk [tilespmem:v3+s5+$0x0], $0xffff;
	_ =	sdelay $0x1  }
0xba: {  	s8 =	sshll.u32 s8, $0xA  }
0xbb: {  	s8 =	sor.u32 s4, s8  }
0xbc: {  	v55 =	vor.u32 $0xC000, v0;
	s8 =	sshrl.u32 s8, $0x3;
	v2 =	vand.u32 $0x7F, v2  }
0xbd: {  	s8 =	sadd.s32 s2, s8;
	s26 =	simm.s32 $0x10300;
	v56 =	vor.u32 v55, v2;
	[tilespmem:$0x10330] =	vst v3  }
0xbe: {  	[hbm4b:s8+s3] =	stream.linear.scatter [tilespmem:s26], [sflag:$0x2], $0x80, $0x38;
	[tilespmem:$0x10480] =	vst v63  }
0xbf: {  	_ =	swait.ge [sflag:s20], $0x2000  }
0xc0: {  	[sflag:s20] =	ssyncset.done $0x0  }
0xc1: {  	[sflag:s20] =	ssyncadd.s32 $0xFFFFE000  }
0xc2: {  	v57 =	vor.u32 $0xC800, v0;
	v3 =	vld.idx.msk [tilespmem:v56+s5+$0x0], $0xffff  }
0xc3: {  	v4 =	vor.u32 v57, v2;
	_ =	sdelay $0x3  }
0xc4: {  	[tilespmem:$0x10380] =	vst v3  }
0xc5: {  	v58 =	vor.u32 $0xD000, v0;
	v3 =	vld.idx.msk [tilespmem:v4+s5+$0x0], $0xffff  }
0xc6: {  	v4 =	vor.u32 v58, v2;
	_ =	sdelay $0x3  }
0xc7: {  	[tilespmem:$0x10390] =	vst v3  }
0xc8: {  	v59 =	vor.u32 $0xD800, v0;
	v3 =	vld.idx.msk [tilespmem:v4+s5+$0x0], $0xffff  }
0xc9: {  	v2 =	vor.u32 v59, v2;
	_ =	sdelay $0x3  }
0xca: {  	[tilespmem:$0x103A0] =	vst v3  }
0xcb: {  	v2 =	vld.idx.msk [tilespmem:v2+s5+$0x0], $0xffff;
	_ =	sdelay $0x1  }
0xcc: {  	s7 =	sshll.u32 s7, $0xA  }
0xcd: {  	s7 =	sor.u32 s4, s7  }
0xce: {  	v60 =	vor.u32 $0xE000, v0;
	s7 =	sshrl.u32 s7, $0x3;
	v1 =	vand.u32 $0x7F, v1  }
0xcf: {  	s7 =	sadd.s32 s2, s7;
	s28 =	simm.s32 $0x10380;
	v61 =	vor.u32 v60, v1;
	[tilespmem:$0x103B0] =	vst v2  }
0xd0: {  	[hbm4b:s7+s3] =	stream.linear.scatter [tilespmem:s28], [sflag:$0x2], $0x80, $0x38;
	[tilespmem:$0x10480] =	vst v63  }
0xd1: {  	_ =	swait.ge [sflag:s20], $0x2000  }
0xd2: {  	[sflag:s20] =	ssyncset.done $0x0  }
0xd3: {  	[sflag:s20] =	ssyncadd.s32 $0xFFFFE000  }
0xd4: {  	v62 =	vor.u32 $0xE800, v0;
	v2 =	vld.idx.msk [tilespmem:v61+s5+$0x0], $0xffff  }
0xd5: {  	v3 =	vor.u32 v62, v1;
	_ =	sdelay $0x3  }
0xd6: {  	[tilespmem:$0x10400] =	vst v2  }
0xd7: {  	v63 =	vor.u32 $0xF000, v0;
	v2 =	vld.idx.msk [tilespmem:v3+s5+$0x0], $0xffff  }
0xd8: {  	v3 =	vor.u32 v63, v1;
	_ =	sdelay $0x3  }
0xd9: {  	[tilespmem:$0x10410] =	vst v2  }
0xda: {  	v0 =	vor.u32 $0xF800, v0;
	v2 =	vld.idx.msk [tilespmem:v3+s5+$0x0], $0xffff  }
0xdb: {  	v0 =	vor.u32 v0, v1;
	_ =	sdelay $0x3  }
0xdc: {  	[tilespmem:$0x10420] =	vst v2  }
0xdd: {  	v0 =	vld.idx.msk [tilespmem:v0+s5+$0x0], $0xffff;
	_ =	sdelay $0x1  }
0xde: {  	s29 =	sshll.u32 s6, $0xA  }
0xdf: {  	s4 =	sor.u32 s4, s29  }
0xe0: {  	s4 =	sshrl.u32 s4, $0x3  }
0xe1: {  	s2 =	sadd.s32 s2, s4;
	s30 =	simm.s32 $0x10400;
	s31 =	simm.s32 $0x2;
	[tilespmem:$0x10430] =	vst v0  }
0xe2: {  	[hbm4b:s2+s3] =	stream.linear.scatter [tilespmem:s30], [sflag:$0x2], $0x80, $0x38;
	[tilespmem:$0x10480] =	vst v63  }
0xe3: {  	_ =	swait.ge [sflag:s31], $0x80  }
0xe4: {  	[sflag:s31] =	ssyncset.done $0x0  }
0xe5: {  	[sflag:s31] =	ssyncadd.s32 $0xFFFFFF80  }
0xe6: {  	_ =	swait.ge [sflag:s31], $0x80  }
0xe7: {  	[sflag:s31] =	ssyncset.done $0x0  }
0xe8: {  	[sflag:s31] =	ssyncadd.s32 $0xFFFFFF80  }
0xe9: {  	_ =	swait.ge [sflag:s31], $0x80  }
0xea: {  	[sflag:s31] =	ssyncset.done $0x0  }
0xeb: {  	[sflag:s31] =	ssyncadd.s32 $0xFFFFFF80  }
0xec: {  	_ =	swait.ge [sflag:s31], $0x80  }
0xed: {  	[sflag:s31] =	ssyncset.done $0x0  }
0xee: {  	[sflag:s31] =	ssyncadd.s32 $0xFFFFFF80  }
0xef: {  	_ =	swait.ge [sflag:s31], $0x80  }
0xf0: {  	[sflag:s31] =	ssyncset.done $0x0  }
0xf1: {  	[sflag:s31] =	ssyncadd.s32 $0xFFFFFF80  }
0xf2: {  	_ =	swait.ge [sflag:s31], $0x80  }
0xf3: {  	[sflag:s31] =	ssyncset.done $0x0  }
0xf4: {  	[sflag:s31] =	ssyncadd.s32 $0xFFFFFF80  }
0xf5: {  	_ =	swait.ge [sflag:s31], $0x80  }
0xf6: {  	[sflag:s31] =	ssyncset.done $0x0  }
0xf7: {  	[sflag:s31] =	ssyncadd.s32 $0xFFFFFF80  }
0xf8: {  	_ =	swait.ge [sflag:s31], $0x80  }
0xf9: {  	[sflag:s31] =	ssyncset.done $0x0  }
0xfa: {  	[sflag:s31] =	ssyncadd.s32 $0xFFFFFF80  }
0xfb: {  	_ =	sfence.sel $0x180000  }
0xfc: {  	[bflag:$0x0] =	sbarrier.arrive $0xFFFF  }
0xfd: {  	p0 =	sne.s32 s0, $0x0;
	_ =	strace $0x90000047  }
0xfe: {  	s0 =	sadd.s32 @!p0 $0x100000, s1;
	[bflag:$0x2] =	sbarrier.arrive $0xFFFF  }
0xff: {  	[sflag:s0] =	ssyncadd.tile.s32 @!p0 $0x1;
	_ =	shalt  }
.Lfunc_end2:
_tile_overlayer_lowered:
.L_overlay_start_2:
0x100: {  	(tag) =	ssettag $0x2  }
0x101: {  	s0 =	rddreg [dreg:$0x0];
	s2 =	stileid.u32  }
0x102: {  	s1 =	rddreg [dreg:$0x1];
	p0 =	sne.s32 s2, $0x0  }
0x103: {  	s3 =	rddreg [dreg:$0x2];
	[bflag:$0x3] =	sbarrier.arrive $0xFFFF;
	s2 =	simm.s32 @!p0 $0x1C03  }
0x104: {  	[timem:s3], [sflag:s2] =	dma.local @!p0 [hbm:s0], s1  }
0x105: {  	s0 =	simm.s32 @!p0 $0x3  }
0x106: {  	_ =	swait.ge @!p0 [sflag:s0], s1  }
0x107: {  	s1 =	ssub.s32 @!p0 $0x0, s1;
	[sflag:s0] =	ssyncset.done @!p0 $0x0  }
0x108: {  	[sflag:s0] =	ssyncadd.s32 @!p0 s1  }
0x109: {  	[bflag:$0x3] =	sbarrier.arrive $0xFFFF  }
0x10a: {  	_ =	shalt  }

</sc_bundles>
